<compile_context>
chip_gen: v7x
topology: tpu7x:2x2x1
jax: 0.10.2.dev20260603
libtpu: 0.0.44.dev20260713+nightly
codegen_flags: <defaults>
</compile_context>

<pallas_src>
import functools

import jax
import jax.numpy as jnp
from jax import lax
from jax.experimental import pallas as pl
from jax.experimental.pallas import tpu as pltpu
from jax.experimental.pallas import tpu_sc as plsc

V = 100000
D = 70
DP = 80
B = 16384
H = 50

NC, NS = 2, 16
NW = NC * NS
BPW = B // NW
CH = 8
NCHUNK = BPW // CH

BM = 1024
BN = 2048


def _pool_body(table_hbm, idx_hbm, out_hbm, idx_v, rows_v, acc_v, sem):
    wid = lax.axis_index("s") * NC + lax.axis_index("c")
    base_b = wid * BPW

    @pl.loop(0, NCHUNK)
    def _(ci):
        b0 = base_b + ci * CH
        pltpu.sync_copy(idx_hbm.at[pl.ds(b0 * H, CH * H)], idx_v)
        pltpu.async_copy(table_hbm.at[idx_v], rows_v, sem).wait()
        for b in range(CH):
            for c in range(DP // 16):
                def body(j, acc, _b=b, _c=c):
                    return acc + rows_v[_b * H + j, pl.ds(_c * 16, 16)]
                acc = lax.fori_loop(0, H, body, jnp.zeros((16,), jnp.float32))
                acc_v[b, pl.ds(c * 16, 16)] = acc * (1.0 / H)
        pltpu.sync_copy(acc_v, out_hbm.at[pl.ds(b0, CH)])


_pool = functools.partial(
    pl.kernel,
    out_type=jax.ShapeDtypeStruct((B, DP), jnp.float32),
    mesh=plsc.VectorSubcoreMesh(
        core_axis_name="c", subcore_axis_name="s", num_cores=NC, num_subcores=NS
    ),
    scratch_types=[
        pltpu.VMEM((CH * H,), jnp.int32),
        pltpu.VMEM((CH * H, DP), jnp.float32),
        pltpu.VMEM((CH, DP), jnp.float32),
        pltpu.SemaphoreType.DMA,
    ],
    compiler_params=pltpu.CompilerParams(use_tc_tiling_on_sc=False),
)(_pool_body)


def _mm_body(p_ref, w_ref, b_ref, o_ref):
    o_ref[...] = (
        jnp.dot(p_ref[...], w_ref[...], preferred_element_type=jnp.float32)
        + b_ref[...]
    )


def _matmul(p, wt, bias2):
    return pl.pallas_call(
        _mm_body,
        grid=(B // BM, pl.cdiv(V, BN)),
        in_specs=[
            pl.BlockSpec((BM, DP), lambda i, j: (i, 0)),
            pl.BlockSpec((DP, BN), lambda i, j: (0, j)),
            pl.BlockSpec((1, BN), lambda i, j: (0, j)),
        ],
        out_specs=pl.BlockSpec((BM, BN), lambda i, j: (i, j)),
        out_shape=jax.ShapeDtypeStruct((B, V), jnp.float32),
        compiler_params=pltpu.CompilerParams(
            dimension_semantics=("parallel", "arbitrary")
        ),
    )(p, wt, bias2)


def kernel(x, embed_weight, lin_weight, lin_bias):
    table = jnp.pad(embed_weight, ((0, 0), (0, DP - D)))
    idx = x.reshape(-1).astype(jnp.int32)
    pooled = _pool(table, idx)
    p = pooled.astype(jnp.bfloat16)
    wt = jnp.pad(lin_weight, ((0, 0), (0, DP - D))).T.astype(jnp.bfloat16)
    bias2 = lin_bias.reshape(1, V)
    return _matmul(p, wt, bias2)

# --- scband reference (transcript-rebuilt; emitter-appended) ---
"""Pipeline reference for scband-artist2-vec-37245956391502 (READ-ONLY COPY).

The authoritative reference and input builder live on the scoring server;
editing this copy changes nothing except your own understanding.
"""

import jax, jax.numpy as jnp
import numpy as np

NUM_EMBEDDINGS = 100000
EMBED_DIM = 70
BATCH = 16384
HIST = 50

def setup_inputs(seed: int = 0) -> dict:
    key = jax.random.key(seed)
    k1, k2, k3, k4 = jax.random.split(key, 4)
    x = jax.random.randint(k1, (BATCH, HIST), 0, NUM_EMBEDDINGS, dtype=jnp.int64) if jax.config.jax_enable_x64 else jax.random.randint(k1, (BATCH, HIST), 0, NUM_EMBEDDINGS, dtype=jnp.int32)
    embed_weight = jax.random.normal(k2, (NUM_EMBEDDINGS, EMBED_DIM), dtype=jnp.float32)
    # nn.Linear(70, num_embeddings): weight [num_embeddings, 70], bias [num_embeddings]
    bound = 1.0 / np.sqrt(EMBED_DIM)
    lin_weight = jax.random.uniform(k3, (NUM_EMBEDDINGS, EMBED_DIM), dtype=jnp.float32, minval=-bound, maxval=bound)
    lin_bias = jax.random.uniform(k4, (NUM_EMBEDDINGS,), dtype=jnp.float32, minval=-bound, maxval=bound)
    return {"x": x, "embed_weight": embed_weight, "lin_weight": lin_weight, "lin_bias": lin_bias}

def reference(x, embed_weight, lin_weight, lin_bias):
    # x = self.embed(x)
    e = jnp.take(embed_weight, x, axis=0)          # [B, L, 70]
    # x = torch.mean(x, dim=1)
    m = jnp.mean(e, axis=1)                        # [B, 70]
    # x = self.embed_out(x)
    out = m @ lin_weight.T + lin_bias              # [B, num_embeddings]
    return out

if __name__ == "__main__":
    import jax
    _d = setup_inputs()
    print(jax.jit(kernel)(*tuple(_d.values())))

</pallas_src>

<mosaic_0001>
#map = affine_map<(d0, d1) -> (0, 0)>
#map1 = affine_map<(d0, d1) -> (0)>
module attributes {stable_mosaic.version = 14 : i64} {
  func.func @_pool_body(%arg0: i32, %arg1: i32, %arg2: memref<100000x80xf32, #tpu.memory_space<hbm>>, %arg3: memref<819200xi32, #tpu.memory_space<hbm>>, %arg4: memref<16384x80xf32, #tpu.memory_space<hbm>>, %arg5: memref<400xi32, #tpu.memory_space<vmem>>, %arg6: memref<400x80xf32, #tpu.memory_space<vmem>>, %arg7: memref<8x80xf32, #tpu.memory_space<vmem>>, %arg8: memref<!tpu.dma_semaphore, #tpu.memory_space<semaphore_mem>>) attributes {dimension_semantics = [#tpu.dimension_semantics<core_parallel>, #tpu.dimension_semantics<subcore_parallel>], iteration_bounds = array<i64: 2, 16>, scalar_prefetch = 0 : i64, scratch_operands = 4 : i64, tpu.core_type = #tpu.core_type<sc_vector_subcore>, window_params = [{transform_indices = #map}, {transform_indices = #map1}, {transform_indices = #map}]} {
    %mul3A = arith.constant 2 : i32
    %mul3A_0 = arith.muli %arg1, %mul3A : i32
    %add3A = arith.addi %mul3A_0, %arg0 : i32
    %mul3A_1 = arith.constant 512 : i32
    %mul3A_2 = arith.muli %add3A, %mul3A_1 : i32
    %scan3A = arith.constant 0 : i32
    %scan3A_3 = arith.constant 64 : i32
    %scan3A_4 = arith.addi %scan3A, %scan3A_3 : i32
    %scan3A_5 = arith.constant 1 : i32
    scf.for %scan3A_7 = %scan3A to %scan3A_4 step %scan3A_5  : i32 {
      %mul3A_8 = arith.constant 1 : i32
      %mul3A_9 = arith.muli %scan3A_7, %mul3A_8 : i32
      %add3A_10 = arith.constant 0 : i32
      %add3A_11 = arith.addi %add3A_10, %mul3A_9 : i32
      %mul3A_12 = arith.constant 8 : i32
      %mul3A_13 = arith.muli %add3A_11, %mul3A_12 : i32
      %add3A_14 = arith.addi %mul3A_2, %mul3A_13 : i32
      %mul3A_15 = arith.constant 50 : i32
      %mul3A_16 = arith.muli %add3A_14, %mul3A_15 : i32
      "tpu.region"() ({
        %run_scoped3A = tpu.sem_alloc : memref<!tpu.dma_semaphore, #tpu.memory_space<semaphore_mem>>
        %dma_start3A_699 = tpu.memref_slice %arg3[%mul3A_16] : memref<819200xi32, #tpu.memory_space<hbm>> -> memref<400xi32, #tpu.memory_space<hbm>>
        %dma_start3A_700 = tpu.memref_slice %arg3[%mul3A_16] : memref<819200xi32, #tpu.memory_space<hbm>> -> memref<400xi32, #tpu.memory_space<hbm>>
        tpu.enqueue_dma source(%dma_start3A_700 : memref<400xi32, #tpu.memory_space<hbm>>) target(%arg5 : memref<400xi32, #tpu.memory_space<vmem>>) target_semaphore(%run_scoped3A : memref<!tpu.dma_semaphore, #tpu.memory_space<semaphore_mem>>)
        %dma_wait3A_701 = tpu.memref_slice %arg3[%mul3A_16] : memref<819200xi32, #tpu.memory_space<hbm>> -> memref<400xi32, #tpu.memory_space<hbm>>
        %dma_wait3A_702 = tpu.memref_slice %arg3[%mul3A_16] : memref<819200xi32, #tpu.memory_space<hbm>> -> memref<400xi32, #tpu.memory_space<hbm>>
        tpu.wait_dma2 semaphore(%run_scoped3A : memref<!tpu.dma_semaphore, #tpu.memory_space<semaphore_mem>>) src(%dma_wait3A_702 : memref<400xi32, #tpu.memory_space<hbm>>) dst(%arg5 : memref<400xi32, #tpu.memory_space<vmem>>)
        tpu.yield
      }) : () -> ()
      %dma_start3A = arith.constant 0 : i32
      %dma_start3A_17 = arith.constant 0 : i32
      %dma_start3A_18 = tpu.memref_slice %arg2[%dma_start3A, %dma_start3A_17] : memref<100000x80xf32, #tpu.memory_space<hbm>> -> memref<100000x80xf32, #tpu.memory_space<hbm>>
      tpu.enqueue_indirect_dma source(%dma_start3A_18 : memref<100000x80xf32, #tpu.memory_space<hbm>>) target(%arg6 : memref<400x80xf32, #tpu.memory_space<vmem>>) offsets(%arg5 : memref<400xi32, #tpu.memory_space<vmem>>) semaphore(%arg8 : memref<!tpu.dma_semaphore, #tpu.memory_space<semaphore_mem>>)
      %dma_wait3A = arith.constant 0 : i32
      %dma_wait3A_19 = arith.constant 0 : i32
      %dma_wait3A_20 = tpu.memref_slice %arg2[%dma_wait3A, %dma_wait3A_19] : memref<100000x80xf32, #tpu.memory_space<hbm>> -> memref<100000x80xf32, #tpu.memory_space<hbm>>
      tpu.wait_indirect_dma semaphore(%arg8 : memref<!tpu.dma_semaphore, #tpu.memory_space<semaphore_mem>>) src(%dma_wait3A_20 : memref<100000x80xf32, #tpu.memory_space<hbm>>) dst(%arg6 : memref<400x80xf32, #tpu.memory_space<vmem>>)
      %broadcast_in_dim3A = arith.constant 0.000000e+00 : f32
      %broadcast_in_dim3A_21 = vector.broadcast %broadcast_in_dim3A : f32 to vector<16xf32>
      %scan3A_22 = arith.constant 0 : i32
      %scan3A_23 = arith.constant 50 : i32
      %scan3A_24 = arith.addi %scan3A_22, %scan3A_23 : i32
      %scan3A_25 = arith.constant 1 : i32
      %scan3A_26 = scf.for %scan3A_699 = %scan3A_22 to %scan3A_24 step %scan3A_25 iter_args(%scan3A_700 = %broadcast_in_dim3A_21) -> (vector<16xf32>)  : i32 {
        %add3A_701 = arith.constant 0 : i32
        %add3A_702 = arith.addi %add3A_701, %scan3A_699 : i32
        %get3A = arith.index_cast %add3A_702 : i32 to index
        %get3A_703 = arith.constant 0 : index
        %get3A_704 = tpu.vector_load %arg6[%get3A, %get3A_703] {strides = array<i32>} : memref<400x80xf32, #tpu.memory_space<vmem>>, vector<1x16xf32>,
        %get3A_705 = vector.shape_cast %get3A_704 : vector<1x16xf32> to vector<16xf32>
        %add3A_706 = arith.addf %scan3A_700, %get3A_705 : vector<16xf32>
        scf.yield %add3A_706 : vector<16xf32>
      }
      %scan3A_27 = arith.constant 50 : i32
      %mul3A_28 = arith.constant 2.000000e-02 : f32
      %mul3A_29 = vector.broadcast %mul3A_28 : f32 to vector<16xf32>
      %mul3A_30 = arith.mulf %scan3A_26, %mul3A_29 : vector<16xf32>
      %swap3A = arith.constant 0 : i32
      %swap3A_31 = arith.index_cast %swap3A : i32 to index
      %swap3A_32 = arith.constant 0 : index
      %swap3A_33 = tpu.vector_load %arg7[%swap3A_31, %swap3A_32] {strides = array<i32>} : memref<8x80xf32, #tpu.memory_space<vmem>>, vector<1x16xf32>,
      %swap3A_34 = vector.shape_cast %swap3A_33 : vector<1x16xf32> to vector<16xf32>
      %swap3A_35 = vector.shape_cast %mul3A_30 : vector<16xf32> to vector<1x16xf32>
      tpu.vector_store %arg7[%swap3A_31, %swap3A_32], %swap3A_35 {strides = array<i32>} : memref<8x80xf32, #tpu.memory_space<vmem>>, vector<1x16xf32>,
      %broadcast_in_dim3A_36 = arith.constant 0.000000e+00 : f32
      %broadcast_in_dim3A_37 = vector.broadcast %broadcast_in_dim3A_36 : f32 to vector<16xf32>
      %scan3A_38 = arith.constant 0 : i32
      %scan3A_39 = arith.constant 50 : i32
      %scan3A_40 = arith.addi %scan3A_38, %scan3A_39 : i32
      %scan3A_41 = arith.constant 1 : i32
      %scan3A_42 = scf.for %scan3A_699 = %scan3A_38 to %scan3A_40 step %scan3A_41 iter_args(%scan3A_700 = %broadcast_in_dim3A_37) -> (vector<16xf32>)  : i32 {
        %add3A_701 = arith.constant 0 : i32
        %add3A_702 = arith.addi %add3A_701, %scan3A_699 : i32
        %get3A = arith.index_cast %add3A_702 : i32 to index
        %get3A_703 = arith.constant 16 : index
        %get3A_704 = tpu.vector_load %arg6[%get3A, %get3A_703] {strides = array<i32>} : memref<400x80xf32, #tpu.memory_space<vmem>>, vector<1x16xf32>,
        %get3A_705 = vector.shape_cast %get3A_704 : vector<1x16xf32> to vector<16xf32>
        %add3A_706 = arith.addf %scan3A_700, %get3A_705 : vector<16xf32>
        scf.yield %add3A_706 : vector<16xf32>
      }
      %scan3A_43 = arith.constant 50 : i32
      %mul3A_44 = arith.constant 2.000000e-02 : f32
      %mul3A_45 = vector.broadcast %mul3A_44 : f32 to vector<16xf32>
      %mul3A_46 = arith.mulf %scan3A_42, %mul3A_45 : vector<16xf32>
      %swap3A_47 = arith.constant 0 : i32
      %swap3A_48 = arith.index_cast %swap3A_47 : i32 to index
      %swap3A_49 = arith.constant 16 : index
      %swap3A_50 = tpu.vector_load %arg7[%swap3A_48, %swap3A_49] {strides = array<i32>} : memref<8x80xf32, #tpu.memory_space<vmem>>, vector<1x16xf32>,
      %swap3A_51 = vector.shape_cast %swap3A_50 : vector<1x16xf32> to vector<16xf32>
      %swap3A_52 = vector.shape_cast %mul3A_46 : vector<16xf32> to vector<1x16xf32>
      tpu.vector_store %arg7[%swap3A_48, %swap3A_49], %swap3A_52 {strides = array<i32>} : memref<8x80xf32, #tpu.memory_space<vmem>>, vector<1x16xf32>,
      %broadcast_in_dim3A_53 = arith.constant 0.000000e+00 : f32
      %broadcast_in_dim3A_54 = vector.broadcast %broadcast_in_dim3A_53 : f32 to vector<16xf32>
      %scan3A_55 = arith.constant 0 : i32
      %scan3A_56 = arith.constant 50 : i32
      %scan3A_57 = arith.addi %scan3A_55, %scan3A_56 : i32
      %scan3A_58 = arith.constant 1 : i32
      %scan3A_59 = scf.for %scan3A_699 = %scan3A_55 to %scan3A_57 step %scan3A_58 iter_args(%scan3A_700 = %broadcast_in_dim3A_54) -> (vector<16xf32>)  : i32 {
        %add3A_701 = arith.constant 0 : i32
        %add3A_702 = arith.addi %add3A_701, %scan3A_699 : i32
        %get3A = arith.index_cast %add3A_702 : i32 to index
        %get3A_703 = arith.constant 32 : index
        %get3A_704 = tpu.vector_load %arg6[%get3A, %get3A_703] {strides = array<i32>} : memref<400x80xf32, #tpu.memory_space<vmem>>, vector<1x16xf32>,
        %get3A_705 = vector.shape_cast %get3A_704 : vector<1x16xf32> to vector<16xf32>
        %add3A_706 = arith.addf %scan3A_700, %get3A_705 : vector<16xf32>
        scf.yield %add3A_706 : vector<16xf32>
      }
      %scan3A_60 = arith.constant 50 : i32
      %mul3A_61 = arith.constant 2.000000e-02 : f32
      %mul3A_62 = vector.broadcast %mul3A_61 : f32 to vector<16xf32>
      %mul3A_63 = arith.mulf %scan3A_59, %mul3A_62 : vector<16xf32>
      %swap3A_64 = arith.constant 0 : i32
      %swap3A_65 = arith.index_cast %swap3A_64 : i32 to index
      %swap3A_66 = arith.constant 32 : index
      %swap3A_67 = tpu.vector_load %arg7[%swap3A_65, %swap3A_66] {strides = array<i32>} : memref<8x80xf32, #tpu.memory_space<vmem>>, vector<1x16xf32>,
      %swap3A_68 = vector.shape_cast %swap3A_67 : vector<1x16xf32> to vector<16xf32>
      %swap3A_69 = vector.shape_cast %mul3A_63 : vector<16xf32> to vector<1x16xf32>
      tpu.vector_store %arg7[%swap3A_65, %swap3A_66], %swap3A_69 {strides = array<i32>} : memref<8x80xf32, #tpu.memory_space<vmem>>, vector<1x16xf32>,
      %broadcast_in_dim3A_70 = arith.constant 0.000000e+00 : f32
      %broadcast_in_dim3A_71 = vector.broadcast %broadcast_in_dim3A_70 : f32 to vector<16xf32>
      %scan3A_72 = arith.constant 0 : i32
      %scan3A_73 = arith.constant 50 : i32
      %scan3A_74 = arith.addi %scan3A_72, %scan3A_73 : i32
      %scan3A_75 = arith.constant 1 : i32
      %scan3A_76 = scf.for %scan3A_699 = %scan3A_72 to %scan3A_74 step %scan3A_75 iter_args(%scan3A_700 = %broadcast_in_dim3A_71) -> (vector<16xf32>)  : i32 {
        %add3A_701 = arith.constant 0 : i32
        %add3A_702 = arith.addi %add3A_701, %scan3A_699 : i32
        %get3A = arith.index_cast %add3A_702 : i32 to index
        %get3A_703 = arith.constant 48 : index
        %get3A_704 = tpu.vector_load %arg6[%get3A, %get3A_703] {strides = array<i32>} : memref<400x80xf32, #tpu.memory_space<vmem>>, vector<1x16xf32>,
        %get3A_705 = vector.shape_cast %get3A_704 : vector<1x16xf32> to vector<16xf32>
        %add3A_706 = arith.addf %scan3A_700, %get3A_705 : vector<16xf32>
        scf.yield %add3A_706 : vector<16xf32>
      }
      %scan3A_77 = arith.constant 50 : i32
      %mul3A_78 = arith.constant 2.000000e-02 : f32
      %mul3A_79 = vector.broadcast %mul3A_78 : f32 to vector<16xf32>
      %mul3A_80 = arith.mulf %scan3A_76, %mul3A_79 : vector<16xf32>
      %swap3A_81 = arith.constant 0 : i32
      %swap3A_82 = arith.index_cast %swap3A_81 : i32 to index
      %swap3A_83 = arith.constant 48 : index
      %swap3A_84 = tpu.vector_load %arg7[%swap3A_82, %swap3A_83] {strides = array<i32>} : memref<8x80xf32, #tpu.memory_space<vmem>>, vector<1x16xf32>,
      %swap3A_85 = vector.shape_cast %swap3A_84 : vector<1x16xf32> to vector<16xf32>
      %swap3A_86 = vector.shape_cast %mul3A_80 : vector<16xf32> to vector<1x16xf32>
      tpu.vector_store %arg7[%swap3A_82, %swap3A_83], %swap3A_86 {strides = array<i32>} : memref<8x80xf32, #tpu.memory_space<vmem>>, vector<1x16xf32>,
      %broadcast_in_dim3A_87 = arith.constant 0.000000e+00 : f32
      %broadcast_in_dim3A_88 = vector.broadcast %broadcast_in_dim3A_87 : f32 to vector<16xf32>
      %scan3A_89 = arith.constant 0 : i32
      %scan3A_90 = arith.constant 50 : i32
      %scan3A_91 = arith.addi %scan3A_89, %scan3A_90 : i32
      %scan3A_92 = arith.constant 1 : i32
      %scan3A_93 = scf.for %scan3A_699 = %scan3A_89 to %scan3A_91 step %scan3A_92 iter_args(%scan3A_700 = %broadcast_in_dim3A_88) -> (vector<16xf32>)  : i32 {
        %add3A_701 = arith.constant 0 : i32
        %add3A_702 = arith.addi %add3A_701, %scan3A_699 : i32
        %get3A = arith.index_cast %add3A_702 : i32 to index
        %get3A_703 = arith.constant 64 : index
        %get3A_704 = tpu.vector_load %arg6[%get3A, %get3A_703] {strides = array<i32>} : memref<400x80xf32, #tpu.memory_space<vmem>>, vector<1x16xf32>,
        %get3A_705 = vector.shape_cast %get3A_704 : vector<1x16xf32> to vector<16xf32>
        %add3A_706 = arith.addf %scan3A_700, %get3A_705 : vector<16xf32>
        scf.yield %add3A_706 : vector<16xf32>
      }
      %scan3A_94 = arith.constant 50 : i32
      %mul3A_95 = arith.constant 2.000000e-02 : f32
      %mul3A_96 = vector.broadcast %mul3A_95 : f32 to vector<16xf32>
      %mul3A_97 = arith.mulf %scan3A_93, %mul3A_96 : vector<16xf32>
      %swap3A_98 = arith.constant 0 : i32
      %swap3A_99 = arith.index_cast %swap3A_98 : i32 to index
      %swap3A_100 = arith.constant 64 : index
      %swap3A_101 = tpu.vector_load %arg7[%swap3A_99, %swap3A_100] {strides = array<i32>} : memref<8x80xf32, #tpu.memory_space<vmem>>, vector<1x16xf32>,
      %swap3A_102 = vector.shape_cast %swap3A_101 : vector<1x16xf32> to vector<16xf32>
      %swap3A_103 = vector.shape_cast %mul3A_97 : vector<16xf32> to vector<1x16xf32>
      tpu.vector_store %arg7[%swap3A_99, %swap3A_100], %swap3A_103 {strides = array<i32>} : memref<8x80xf32, #tpu.memory_space<vmem>>, vector<1x16xf32>,
      %broadcast_in_dim3A_104 = arith.constant 0.000000e+00 : f32
      %broadcast_in_dim3A_105 = vector.broadcast %broadcast_in_dim3A_104 : f32 to vector<16xf32>
      %scan3A_106 = arith.constant 0 : i32
      %scan3A_107 = arith.constant 50 : i32
      %scan3A_108 = arith.addi %scan3A_106, %scan3A_107 : i32
      %scan3A_109 = arith.constant 1 : i32
      %scan3A_110 = scf.for %scan3A_699 = %scan3A_106 to %scan3A_108 step %scan3A_109 iter_args(%scan3A_700 = %broadcast_in_dim3A_105) -> (vector<16xf32>)  : i32 {
        %add3A_701 = arith.constant 50 : i32
        %add3A_702 = arith.addi %add3A_701, %scan3A_699 : i32
        %get3A = arith.index_cast %add3A_702 : i32 to index
        %get3A_703 = arith.constant 0 : index
        %get3A_704 = tpu.vector_load %arg6[%get3A, %get3A_703] {strides = array<i32>} : memref<400x80xf32, #tpu.memory_space<vmem>>, vector<1x16xf32>,
        %get3A_705 = vector.shape_cast %get3A_704 : vector<1x16xf32> to vector<16xf32>
        %add3A_706 = arith.addf %scan3A_700, %get3A_705 : vector<16xf32>
        scf.yield %add3A_706 : vector<16xf32>
      }
      %scan3A_111 = arith.constant 50 : i32
      %mul3A_112 = arith.constant 2.000000e-02 : f32
      %mul3A_113 = vector.broadcast %mul3A_112 : f32 to vector<16xf32>
      %mul3A_114 = arith.mulf %scan3A_110, %mul3A_113 : vector<16xf32>
      %swap3A_115 = arith.constant 1 : i32
      %swap3A_116 = arith.index_cast %swap3A_115 : i32 to index
      %swap3A_117 = arith.constant 0 : index
      %swap3A_118 = tpu.vector_load %arg7[%swap3A_116, %swap3A_117] {strides = array<i32>} : memref<8x80xf32, #tpu.memory_space<vmem>>, vector<1x16xf32>,
      %swap3A_119 = vector.shape_cast %swap3A_118 : vector<1x16xf32> to vector<16xf32>
      %swap3A_120 = vector.shape_cast %mul3A_114 : vector<16xf32> to vector<1x16xf32>
      tpu.vector_store %arg7[%swap3A_116, %swap3A_117], %swap3A_120 {strides = array<i32>} : memref<8x80xf32, #tpu.memory_space<vmem>>, vector<1x16xf32>,
      %broadcast_in_dim3A_121 = arith.constant 0.000000e+00 : f32
      %broadcast_in_dim3A_122 = vector.broadcast %broadcast_in_dim3A_121 : f32 to vector<16xf32>
      %scan3A_123 = arith.constant 0 : i32
      %scan3A_124 = arith.constant 50 : i32
      %scan3A_125 = arith.addi %scan3A_123, %scan3A_124 : i32
      %scan3A_126 = arith.constant 1 : i32
      %scan3A_127 = scf.for %scan3A_699 = %scan3A_123 to %scan3A_125 step %scan3A_126 iter_args(%scan3A_700 = %broadcast_in_dim3A_122) -> (vector<16xf32>)  : i32 {
        %add3A_701 = arith.constant 50 : i32
        %add3A_702 = arith.addi %add3A_701, %scan3A_699 : i32
        %get3A = arith.index_cast %add3A_702 : i32 to index
        %get3A_703 = arith.constant 16 : index
        %get3A_704 = tpu.vector_load %arg6[%get3A, %get3A_703] {strides = array<i32>} : memref<400x80xf32, #tpu.memory_space<vmem>>, vector<1x16xf32>,
        %get3A_705 = vector.shape_cast %get3A_704 : vector<1x16xf32> to vector<16xf32>
        %add3A_706 = arith.addf %scan3A_700, %get3A_705 : vector<16xf32>
        scf.yield %add3A_706 : vector<16xf32>
      }
      %scan3A_128 = arith.constant 50 : i32
      %mul3A_129 = arith.constant 2.000000e-02 : f32
      %mul3A_130 = vector.broadcast %mul3A_129 : f32 to vector<16xf32>
      %mul3A_131 = arith.mulf %scan3A_127, %mul3A_130 : vector<16xf32>
      %swap3A_132 = arith.constant 1 : i32
      %swap3A_133 = arith.index_cast %swap3A_132 : i32 to index
      %swap3A_134 = arith.constant 16 : index
      %swap3A_135 = tpu.vector_load %arg7[%swap3A_133, %swap3A_134] {strides = array<i32>} : memref<8x80xf32, #tpu.memory_space<vmem>>, vector<1x16xf32>,
      %swap3A_136 = vector.shape_cast %swap3A_135 : vector<1x16xf32> to vector<16xf32>
      %swap3A_137 = vector.shape_cast %mul3A_131 : vector<16xf32> to vector<1x16xf32>
      tpu.vector_store %arg7[%swap3A_133, %swap3A_134], %swap3A_137 {strides = array<i32>} : memref<8x80xf32, #tpu.memory_space<vmem>>, vector<1x16xf32>,
      %broadcast_in_dim3A_138 = arith.constant 0.000000e+00 : f32
      %broadcast_in_dim3A_139 = vector.broadcast %broadcast_in_dim3A_138 : f32 to vector<16xf32>
      %scan3A_140 = arith.constant 0 : i32
      %scan3A_141 = arith.constant 50 : i32
      %scan3A_142 = arith.addi %scan3A_140, %scan3A_141 : i32
      %scan3A_143 = arith.constant 1 : i32
      %scan3A_144 = scf.for %scan3A_699 = %scan3A_140 to %scan3A_142 step %scan3A_143 iter_args(%scan3A_700 = %broadcast_in_dim3A_139) -> (vector<16xf32>)  : i32 {
        %add3A_701 = arith.constant 50 : i32
        %add3A_702 = arith.addi %add3A_701, %scan3A_699 : i32
        %get3A = arith.index_cast %add3A_702 : i32 to index
        %get3A_703 = arith.constant 32 : index
        %get3A_704 = tpu.vector_load %arg6[%get3A, %get3A_703] {strides = array<i32>} : memref<400x80xf32, #tpu.memory_space<vmem>>, vector<1x16xf32>,
        %get3A_705 = vector.shape_cast %get3A_704 : vector<1x16xf32> to vector<16xf32>
        %add3A_706 = arith.addf %scan3A_700, %get3A_705 : vector<16xf32>
        scf.yield %add3A_706 : vector<16xf32>
      }
      %scan3A_145 = arith.constant 50 : i32
      %mul3A_146 = arith.constant 2.000000e-02 : f32
      %mul3A_147 = vector.broadcast %mul3A_146 : f32 to vector<16xf32>
      %mul3A_148 = arith.mulf %scan3A_144, %mul3A_147 : vector<16xf32>
      %swap3A_149 = arith.constant 1 : i32
      %swap3A_150 = arith.index_cast %swap3A_149 : i32 to index
      %swap3A_151 = arith.constant 32 : index
      %swap3A_152 = tpu.vector_load %arg7[%swap3A_150, %swap3A_151] {strides = array<i32>} : memref<8x80xf32, #tpu.memory_space<vmem>>, vector<1x16xf32>,
      %swap3A_153 = vector.shape_cast %swap3A_152 : vector<1x16xf32> to vector<16xf32>
      %swap3A_154 = vector.shape_cast %mul3A_148 : vector<16xf32> to vector<1x16xf32>
      tpu.vector_store %arg7[%swap3A_150, %swap3A_151], %swap3A_154 {strides = array<i32>} : memref<8x80xf32, #tpu.memory_space<vmem>>, vector<1x16xf32>,
      %broadcast_in_dim3A_155 = arith.constant 0.000000e+00 : f32
      %broadcast_in_dim3A_156 = vector.broadcast %broadcast_in_dim3A_155 : f32 to vector<16xf32>
      %scan3A_157 = arith.constant 0 : i32
      %scan3A_158 = arith.constant 50 : i32
      %scan3A_159 = arith.addi %scan3A_157, %scan3A_158 : i32
      %scan3A_160 = arith.constant 1 : i32
      %scan3A_161 = scf.for %scan3A_699 = %scan3A_157 to %scan3A_159 step %scan3A_160 iter_args(%scan3A_700 = %broadcast_in_dim3A_156) -> (vector<16xf32>)  : i32 {
        %add3A_701 = arith.constant 50 : i32
        %add3A_702 = arith.addi %add3A_701, %scan3A_699 : i32
        %get3A = arith.index_cast %add3A_702 : i32 to index
        %get3A_703 = arith.constant 48 : index
        %get3A_704 = tpu.vector_load %arg6[%get3A, %get3A_703] {strides = array<i32>} : memref<400x80xf32, #tpu.memory_space<vmem>>, vector<1x16xf32>,
        %get3A_705 = vector.shape_cast %get3A_704 : vector<1x16xf32> to vector<16xf32>
        %add3A_706 = arith.addf %scan3A_700, %get3A_705 : vector<16xf32>
        scf.yield %add3A_706 : vector<16xf32>
      }
      %scan3A_162 = arith.constant 50 : i32
      %mul3A_163 = arith.constant 2.000000e-02 : f32
      %mul3A_164 = vector.broadcast %mul3A_163 : f32 to vector<16xf32>
      %mul3A_165 = arith.mulf %scan3A_161, %mul3A_164 : vector<16xf32>
      %swap3A_166 = arith.constant 1 : i32
      %swap3A_167 = arith.index_cast %swap3A_166 : i32 to index
      %swap3A_168 = arith.constant 48 : index
      %swap3A_169 = tpu.vector_load %arg7[%swap3A_167, %swap3A_168] {strides = array<i32>} : memref<8x80xf32, #tpu.memory_space<vmem>>, vector<1x16xf32>,
      %swap3A_170 = vector.shape_cast %swap3A_169 : vector<1x16xf32> to vector<16xf32>
      %swap3A_171 = vector.shape_cast %mul3A_165 : vector<16xf32> to vector<1x16xf32>
      tpu.vector_store %arg7[%swap3A_167, %swap3A_168], %swap3A_171 {strides = array<i32>} : memref<8x80xf32, #tpu.memory_space<vmem>>, vector<1x16xf32>,
      %broadcast_in_dim3A_172 = arith.constant 0.000000e+00 : f32
      %broadcast_in_dim3A_173 = vector.broadcast %broadcast_in_dim3A_172 : f32 to vector<16xf32>
      %scan3A_174 = arith.constant 0 : i32
      %scan3A_175 = arith.constant 50 : i32
      %scan3A_176 = arith.addi %scan3A_174, %scan3A_175 : i32
      %scan3A_177 = arith.constant 1 : i32
      %scan3A_178 = scf.for %scan3A_699 = %scan3A_174 to %scan3A_176 step %scan3A_177 iter_args(%scan3A_700 = %broadcast_in_dim3A_173) -> (vector<16xf32>)  : i32 {
        %add3A_701 = arith.constant 50 : i32
        %add3A_702 = arith.addi %add3A_701, %scan3A_699 : i32
        %get3A = arith.index_cast %add3A_702 : i32 to index
        %get3A_703 = arith.constant 64 : index
        %get3A_704 = tpu.vector_load %arg6[%get3A, %get3A_703] {strides = array<i32>} : memref<400x80xf32, #tpu.memory_space<vmem>>, vector<1x16xf32>,
        %get3A_705 = vector.shape_cast %get3A_704 : vector<1x16xf32> to vector<16xf32>
        %add3A_706 = arith.addf %scan3A_700, %get3A_705 : vector<16xf32>
        scf.yield %add3A_706 : vector<16xf32>
      }
      %scan3A_179 = arith.constant 50 : i32
      %mul3A_180 = arith.constant 2.000000e-02 : f32
      %mul3A_181 = vector.broadcast %mul3A_180 : f32 to vector<16xf32>
      %mul3A_182 = arith.mulf %scan3A_178, %mul3A_181 : vector<16xf32>
      %swap3A_183 = arith.constant 1 : i32
      %swap3A_184 = arith.index_cast %swap3A_183 : i32 to index
      %swap3A_185 = arith.constant 64 : index
      %swap3A_186 = tpu.vector_load %arg7[%swap3A_184, %swap3A_185] {strides = array<i32>} : memref<8x80xf32, #tpu.memory_space<vmem>>, vector<1x16xf32>,
      %swap3A_187 = vector.shape_cast %swap3A_186 : vector<1x16xf32> to vector<16xf32>
      %swap3A_188 = vector.shape_cast %mul3A_182 : vector<16xf32> to vector<1x16xf32>
      tpu.vector_store %arg7[%swap3A_184, %swap3A_185], %swap3A_188 {strides = array<i32>} : memref<8x80xf32, #tpu.memory_space<vmem>>, vector<1x16xf32>,
      %broadcast_in_dim3A_189 = arith.constant 0.000000e+00 : f32
      %broadcast_in_dim3A_190 = vector.broadcast %broadcast_in_dim3A_189 : f32 to vector<16xf32>
      %scan3A_191 = arith.constant 0 : i32
      %scan3A_192 = arith.constant 50 : i32
      %scan3A_193 = arith.addi %scan3A_191, %scan3A_192 : i32
      %scan3A_194 = arith.constant 1 : i32
      %scan3A_195 = scf.for %scan3A_699 = %scan3A_191 to %scan3A_193 step %scan3A_194 iter_args(%scan3A_700 = %broadcast_in_dim3A_190) -> (vector<16xf32>)  : i32 {
        %add3A_701 = arith.constant 100 : i32
        %add3A_702 = arith.addi %add3A_701, %scan3A_699 : i32
        %get3A = arith.index_cast %add3A_702 : i32 to index
        %get3A_703 = arith.constant 0 : index
        %get3A_704 = tpu.vector_load %arg6[%get3A, %get3A_703] {strides = array<i32>} : memref<400x80xf32, #tpu.memory_space<vmem>>, vector<1x16xf32>,
        %get3A_705 = vector.shape_cast %get3A_704 : vector<1x16xf32> to vector<16xf32>
        %add3A_706 = arith.addf %scan3A_700, %get3A_705 : vector<16xf32>
        scf.yield %add3A_706 : vector<16xf32>
      }
      %scan3A_196 = arith.constant 50 : i32
      %mul3A_197 = arith.constant 2.000000e-02 : f32
      %mul3A_198 = vector.broadcast %mul3A_197 : f32 to vector<16xf32>
      %mul3A_199 = arith.mulf %scan3A_195, %mul3A_198 : vector<16xf32>
      %swap3A_200 = arith.constant 2 : i32
      %swap3A_201 = arith.index_cast %swap3A_200 : i32 to index
      %swap3A_202 = arith.constant 0 : index
      %swap3A_203 = tpu.vector_load %arg7[%swap3A_201, %swap3A_202] {strides = array<i32>} : memref<8x80xf32, #tpu.memory_space<vmem>>, vector<1x16xf32>,
      %swap3A_204 = vector.shape_cast %swap3A_203 : vector<1x16xf32> to vector<16xf32>
      %swap3A_205 = vector.shape_cast %mul3A_199 : vector<16xf32> to vector<1x16xf32>
      tpu.vector_store %arg7[%swap3A_201, %swap3A_202], %swap3A_205 {strides = array<i32>} : memref<8x80xf32, #tpu.memory_space<vmem>>, vector<1x16xf32>,
      %broadcast_in_dim3A_206 = arith.constant 0.000000e+00 : f32
      %broadcast_in_dim3A_207 = vector.broadcast %broadcast_in_dim3A_206 : f32 to vector<16xf32>
      %scan3A_208 = arith.constant 0 : i32
      %scan3A_209 = arith.constant 50 : i32
      %scan3A_210 = arith.addi %scan3A_208, %scan3A_209 : i32
      %scan3A_211 = arith.constant 1 : i32
      %scan3A_212 = scf.for %scan3A_699 = %scan3A_208 to %scan3A_210 step %scan3A_211 iter_args(%scan3A_700 = %broadcast_in_dim3A_207) -> (vector<16xf32>)  : i32 {
        %add3A_701 = arith.constant 100 : i32
        %add3A_702 = arith.addi %add3A_701, %scan3A_699 : i32
        %get3A = arith.index_cast %add3A_702 : i32 to index
        %get3A_703 = arith.constant 16 : index
        %get3A_704 = tpu.vector_load %arg6[%get3A, %get3A_703] {strides = array<i32>} : memref<400x80xf32, #tpu.memory_space<vmem>>, vector<1x16xf32>,
        %get3A_705 = vector.shape_cast %get3A_704 : vector<1x16xf32> to vector<16xf32>
        %add3A_706 = arith.addf %scan3A_700, %get3A_705 : vector<16xf32>
        scf.yield %add3A_706 : vector<16xf32>
      }
      %scan3A_213 = arith.constant 50 : i32
      %mul3A_214 = arith.constant 2.000000e-02 : f32
      %mul3A_215 = vector.broadcast %mul3A_214 : f32 to vector<16xf32>
      %mul3A_216 = arith.mulf %scan3A_212, %mul3A_215 : vector<16xf32>
      %swap3A_217 = arith.constant 2 : i32
      %swap3A_218 = arith.index_cast %swap3A_217 : i32 to index
      %swap3A_219 = arith.constant 16 : index
      %swap3A_220 = tpu.vector_load %arg7[%swap3A_218, %swap3A_219] {strides = array<i32>} : memref<8x80xf32, #tpu.memory_space<vmem>>, vector<1x16xf32>,
      %swap3A_221 = vector.shape_cast %swap3A_220 : vector<1x16xf32> to vector<16xf32>
      %swap3A_222 = vector.shape_cast %mul3A_216 : vector<16xf32> to vector<1x16xf32>
      tpu.vector_store %arg7[%swap3A_218, %swap3A_219], %swap3A_222 {strides = array<i32>} : memref<8x80xf32, #tpu.memory_space<vmem>>, vector<1x16xf32>,
      %broadcast_in_dim3A_223 = arith.constant 0.000000e+00 : f32
      %broadcast_in_dim3A_224 = vector.broadcast %broadcast_in_dim3A_223 : f32 to vector<16xf32>
      %scan3A_225 = arith.constant 0 : i32
      %scan3A_226 = arith.constant 50 : i32
      %scan3A_227 = arith.addi %scan3A_225, %scan3A_226 : i32
      %scan3A_228 = arith.constant 1 : i32
      %scan3A_229 = scf.for %scan3A_699 = %scan3A_225 to %scan3A_227 step %scan3A_228 iter_args(%scan3A_700 = %broadcast_in_dim3A_224) -> (vector<16xf32>)  : i32 {
        %add3A_701 = arith.constant 100 : i32
        %add3A_702 = arith.addi %add3A_701, %scan3A_699 : i32
        %get3A = arith.index_cast %add3A_702 : i32 to index
        %get3A_703 = arith.constant 32 : index
        %get3A_704 = tpu.vector_load %arg6[%get3A, %get3A_703] {strides = array<i32>} : memref<400x80xf32, #tpu.memory_space<vmem>>, vector<1x16xf32>,
        %get3A_705 = vector.shape_cast %get3A_704 : vector<1x16xf32> to vector<16xf32>
        %add3A_706 = arith.addf %scan3A_700, %get3A_705 : vector<16xf32>
        scf.yield %add3A_706 : vector<16xf32>
      }
      %scan3A_230 = arith.constant 50 : i32
      %mul3A_231 = arith.constant 2.000000e-02 : f32
      %mul3A_232 = vector.broadcast %mul3A_231 : f32 to vector<16xf32>
      %mul3A_233 = arith.mulf %scan3A_229, %mul3A_232 : vector<16xf32>
      %swap3A_234 = arith.constant 2 : i32
      %swap3A_235 = arith.index_cast %swap3A_234 : i32 to index
      %swap3A_236 = arith.constant 32 : index
      %swap3A_237 = tpu.vector_load %arg7[%swap3A_235, %swap3A_236] {strides = array<i32>} : memref<8x80xf32, #tpu.memory_space<vmem>>, vector<1x16xf32>,
      %swap3A_238 = vector.shape_cast %swap3A_237 : vector<1x16xf32> to vector<16xf32>
      %swap3A_239 = vector.shape_cast %mul3A_233 : vector<16xf32> to vector<1x16xf32>
      tpu.vector_store %arg7[%swap3A_235, %swap3A_236], %swap3A_239 {strides = array<i32>} : memref<8x80xf32, #tpu.memory_space<vmem>>, vector<1x16xf32>,
      %broadcast_in_dim3A_240 = arith.constant 0.000000e+00 : f32
      %broadcast_in_dim3A_241 = vector.broadcast %broadcast_in_dim3A_240 : f32 to vector<16xf32>
      %scan3A_242 = arith.constant 0 : i32
      %scan3A_243 = arith.constant 50 : i32
      %scan3A_244 = arith.addi %scan3A_242, %scan3A_243 : i32
      %scan3A_245 = arith.constant 1 : i32
      %scan3A_246 = scf.for %scan3A_699 = %scan3A_242 to %scan3A_244 step %scan3A_245 iter_args(%scan3A_700 = %broadcast_in_dim3A_241) -> (vector<16xf32>)  : i32 {
        %add3A_701 = arith.constant 100 : i32
        %add3A_702 = arith.addi %add3A_701, %scan3A_699 : i32
        %get3A = arith.index_cast %add3A_702 : i32 to index
        %get3A_703 = arith.constant 48 : index
        %get3A_704 = tpu.vector_load %arg6[%get3A, %get3A_703] {strides = array<i32>} : memref<400x80xf32, #tpu.memory_space<vmem>>, vector<1x16xf32>,
        %get3A_705 = vector.shape_cast %get3A_704 : vector<1x16xf32> to vector<16xf32>
        %add3A_706 = arith.addf %scan3A_700, %get3A_705 : vector<16xf32>
        scf.yield %add3A_706 : vector<16xf32>
      }
      %scan3A_247 = arith.constant 50 : i32
      %mul3A_248 = arith.constant 2.000000e-02 : f32
      %mul3A_249 = vector.broadcast %mul3A_248 : f32 to vector<16xf32>
      %mul3A_250 = arith.mulf %scan3A_246, %mul3A_249 : vector<16xf32>
      %swap3A_251 = arith.constant 2 : i32
      %swap3A_252 = arith.index_cast %swap3A_251 : i32 to index
      %swap3A_253 = arith.constant 48 : index
      %swap3A_254 = tpu.vector_load %arg7[%swap3A_252, %swap3A_253] {strides = array<i32>} : memref<8x80xf32, #tpu.memory_space<vmem>>, vector<1x16xf32>,
      %swap3A_255 = vector.shape_cast %swap3A_254 : vector<1x16xf32> to vector<16xf32>
      %swap3A_256 = vector.shape_cast %mul3A_250 : vector<16xf32> to vector<1x16xf32>
      tpu.vector_store %arg7[%swap3A_252, %swap3A_253], %swap3A_256 {strides = array<i32>} : memref<8x80xf32, #tpu.memory_space<vmem>>, vector<1x16xf32>,
      %broadcast_in_dim3A_257 = arith.constant 0.000000e+00 : f32
      %broadcast_in_dim3A_258 = vector.broadcast %broadcast_in_dim3A_257 : f32 to vector<16xf32>
      %scan3A_259 = arith.constant 0 : i32
      %scan3A_260 = arith.constant 50 : i32
      %scan3A_261 = arith.addi %scan3A_259, %scan3A_260 : i32
      %scan3A_262 = arith.constant 1 : i32
      %scan3A_263 = scf.for %scan3A_699 = %scan3A_259 to %scan3A_261 step %scan3A_262 iter_args(%scan3A_700 = %broadcast_in_dim3A_258) -> (vector<16xf32>)  : i32 {
        %add3A_701 = arith.constant 100 : i32
        %add3A_702 = arith.addi %add3A_701, %scan3A_699 : i32
        %get3A = arith.index_cast %add3A_702 : i32 to index
        %get3A_703 = arith.constant 64 : index
        %get3A_704 = tpu.vector_load %arg6[%get3A, %get3A_703] {strides = array<i32>} : memref<400x80xf32, #tpu.memory_space<vmem>>, vector<1x16xf32>,
        %get3A_705 = vector.shape_cast %get3A_704 : vector<1x16xf32> to vector<16xf32>
        %add3A_706 = arith.addf %scan3A_700, %get3A_705 : vector<16xf32>
        scf.yield %add3A_706 : vector<16xf32>
      }
      %scan3A_264 = arith.constant 50 : i32
      %mul3A_265 = arith.constant 2.000000e-02 : f32
      %mul3A_266 = vector.broadcast %mul3A_265 : f32 to vector<16xf32>
      %mul3A_267 = arith.mulf %scan3A_263, %mul3A_266 : vector<16xf32>
      %swap3A_268 = arith.constant 2 : i32
      %swap3A_269 = arith.index_cast %swap3A_268 : i32 to index
      %swap3A_270 = arith.constant 64 : index
      %swap3A_271 = tpu.vector_load %arg7[%swap3A_269, %swap3A_270] {strides = array<i32>} : memref<8x80xf32, #tpu.memory_space<vmem>>, vector<1x16xf32>,
      %swap3A_272 = vector.shape_cast %swap3A_271 : vector<1x16xf32> to vector<16xf32>
      %swap3A_273 = vector.shape_cast %mul3A_267 : vector<16xf32> to vector<1x16xf32>
      tpu.vector_store %arg7[%swap3A_269, %swap3A_270], %swap3A_273 {strides = array<i32>} : memref<8x80xf32, #tpu.memory_space<vmem>>, vector<1x16xf32>,
      %broadcast_in_dim3A_274 = arith.constant 0.000000e+00 : f32
      %broadcast_in_dim3A_275 = vector.broadcast %broadcast_in_dim3A_274 : f32 to vector<16xf32>
      %scan3A_276 = arith.constant 0 : i32
      %scan3A_277 = arith.constant 50 : i32
      %scan3A_278 = arith.addi %scan3A_276, %scan3A_277 : i32
      %scan3A_279 = arith.constant 1 : i32
      %scan3A_280 = scf.for %scan3A_699 = %scan3A_276 to %scan3A_278 step %scan3A_279 iter_args(%scan3A_700 = %broadcast_in_dim3A_275) -> (vector<16xf32>)  : i32 {
        %add3A_701 = arith.constant 150 : i32
        %add3A_702 = arith.addi %add3A_701, %scan3A_699 : i32
        %get3A = arith.index_cast %add3A_702 : i32 to index
        %get3A_703 = arith.constant 0 : index
        %get3A_704 = tpu.vector_load %arg6[%get3A, %get3A_703] {strides = array<i32>} : memref<400x80xf32, #tpu.memory_space<vmem>>, vector<1x16xf32>,
        %get3A_705 = vector.shape_cast %get3A_704 : vector<1x16xf32> to vector<16xf32>
        %add3A_706 = arith.addf %scan3A_700, %get3A_705 : vector<16xf32>
        scf.yield %add3A_706 : vector<16xf32>
      }
      %scan3A_281 = arith.constant 50 : i32
      %mul3A_282 = arith.constant 2.000000e-02 : f32
      %mul3A_283 = vector.broadcast %mul3A_282 : f32 to vector<16xf32>
      %mul3A_284 = arith.mulf %scan3A_280, %mul3A_283 : vector<16xf32>
      %swap3A_285 = arith.constant 3 : i32
      %swap3A_286 = arith.index_cast %swap3A_285 : i32 to index
      %swap3A_287 = arith.constant 0 : index
      %swap3A_288 = tpu.vector_load %arg7[%swap3A_286, %swap3A_287] {strides = array<i32>} : memref<8x80xf32, #tpu.memory_space<vmem>>, vector<1x16xf32>,
      %swap3A_289 = vector.shape_cast %swap3A_288 : vector<1x16xf32> to vector<16xf32>
      %swap3A_290 = vector.shape_cast %mul3A_284 : vector<16xf32> to vector<1x16xf32>
      tpu.vector_store %arg7[%swap3A_286, %swap3A_287], %swap3A_290 {strides = array<i32>} : memref<8x80xf32, #tpu.memory_space<vmem>>, vector<1x16xf32>,
      %broadcast_in_dim3A_291 = arith.constant 0.000000e+00 : f32
      %broadcast_in_dim3A_292 = vector.broadcast %broadcast_in_dim3A_291 : f32 to vector<16xf32>
      %scan3A_293 = arith.constant 0 : i32
      %scan3A_294 = arith.constant 50 : i32
      %scan3A_295 = arith.addi %scan3A_293, %scan3A_294 : i32
      %scan3A_296 = arith.constant 1 : i32
      %scan3A_297 = scf.for %scan3A_699 = %scan3A_293 to %scan3A_295 step %scan3A_296 iter_args(%scan3A_700 = %broadcast_in_dim3A_292) -> (vector<16xf32>)  : i32 {
        %add3A_701 = arith.constant 150 : i32
        %add3A_702 = arith.addi %add3A_701, %scan3A_699 : i32
        %get3A = arith.index_cast %add3A_702 : i32 to index
        %get3A_703 = arith.constant 16 : index
        %get3A_704 = tpu.vector_load %arg6[%get3A, %get3A_703] {strides = array<i32>} : memref<400x80xf32, #tpu.memory_space<vmem>>, vector<1x16xf32>,
        %get3A_705 = vector.shape_cast %get3A_704 : vector<1x16xf32> to vector<16xf32>
        %add3A_706 = arith.addf %scan3A_700, %get3A_705 : vector<16xf32>
        scf.yield %add3A_706 : vector<16xf32>
      }
      %scan3A_298 = arith.constant 50 : i32
      %mul3A_299 = arith.constant 2.000000e-02 : f32
      %mul3A_300 = vector.broadcast %mul3A_299 : f32 to vector<16xf32>
      %mul3A_301 = arith.mulf %scan3A_297, %mul3A_300 : vector<16xf32>
      %swap3A_302 = arith.constant 3 : i32
      %swap3A_303 = arith.index_cast %swap3A_302 : i32 to index
      %swap3A_304 = arith.constant 16 : index
      %swap3A_305 = tpu.vector_load %arg7[%swap3A_303, %swap3A_304] {strides = array<i32>} : memref<8x80xf32, #tpu.memory_space<vmem>>, vector<1x16xf32>,
      %swap3A_306 = vector.shape_cast %swap3A_305 : vector<1x16xf32> to vector<16xf32>
      %swap3A_307 = vector.shape_cast %mul3A_301 : vector<16xf32> to vector<1x16xf32>
      tpu.vector_store %arg7[%swap3A_303, %swap3A_304], %swap3A_307 {strides = array<i32>} : memref<8x80xf32, #tpu.memory_space<vmem>>, vector<1x16xf32>,
      %broadcast_in_dim3A_308 = arith.constant 0.000000e+00 : f32
      %broadcast_in_dim3A_309 = vector.broadcast %broadcast_in_dim3A_308 : f32 to vector<16xf32>
      %scan3A_310 = arith.constant 0 : i32
      %scan3A_311 = arith.constant 50 : i32
      %scan3A_312 = arith.addi %scan3A_310, %scan3A_311 : i32
      %scan3A_313 = arith.constant 1 : i32
      %scan3A_314 = scf.for %scan3A_699 = %scan3A_310 to %scan3A_312 step %scan3A_313 iter_args(%scan3A_700 = %broadcast_in_dim3A_309) -> (vector<16xf32>)  : i32 {
        %add3A_701 = arith.constant 150 : i32
        %add3A_702 = arith.addi %add3A_701, %scan3A_699 : i32
        %get3A = arith.index_cast %add3A_702 : i32 to index
        %get3A_703 = arith.constant 32 : index
        %get3A_704 = tpu.vector_load %arg6[%get3A, %get3A_703] {strides = array<i32>} : memref<400x80xf32, #tpu.memory_space<vmem>>, vector<1x16xf32>,
        %get3A_705 = vector.shape_cast %get3A_704 : vector<1x16xf32> to vector<16xf32>
        %add3A_706 = arith.addf %scan3A_700, %get3A_705 : vector<16xf32>
        scf.yield %add3A_706 : vector<16xf32>
      }
      %scan3A_315 = arith.constant 50 : i32
      %mul3A_316 = arith.constant 2.000000e-02 : f32
      %mul3A_317 = vector.broadcast %mul3A_316 : f32 to vector<16xf32>
      %mul3A_318 = arith.mulf %scan3A_314, %mul3A_317 : vector<16xf32>
      %swap3A_319 = arith.constant 3 : i32
      %swap3A_320 = arith.index_cast %swap3A_319 : i32 to index
      %swap3A_321 = arith.constant 32 : index
      %swap3A_322 = tpu.vector_load %arg7[%swap3A_320, %swap3A_321] {strides = array<i32>} : memref<8x80xf32, #tpu.memory_space<vmem>>, vector<1x16xf32>,
      %swap3A_323 = vector.shape_cast %swap3A_322 : vector<1x16xf32> to vector<16xf32>
      %swap3A_324 = vector.shape_cast %mul3A_318 : vector<16xf32> to vector<1x16xf32>
      tpu.vector_store %arg7[%swap3A_320, %swap3A_321], %swap3A_324 {strides = array<i32>} : memref<8x80xf32, #tpu.memory_space<vmem>>, vector<1x16xf32>,
      %broadcast_in_dim3A_325 = arith.constant 0.000000e+00 : f32
      %broadcast_in_dim3A_326 = vector.broadcast %broadcast_in_dim3A_325 : f32 to vector<16xf32>
      %scan3A_327 = arith.constant 0 : i32
      %scan3A_328 = arith.constant 50 : i32
      %scan3A_329 = arith.addi %scan3A_327, %scan3A_328 : i32
      %scan3A_330 = arith.constant 1 : i32
      %scan3A_331 = scf.for %scan3A_699 = %scan3A_327 to %scan3A_329 step %scan3A_330 iter_args(%scan3A_700 = %broadcast_in_dim3A_326) -> (vector<16xf32>)  : i32 {
        %add3A_701 = arith.constant 150 : i32
        %add3A_702 = arith.addi %add3A_701, %scan3A_699 : i32
        %get3A = arith.index_cast %add3A_702 : i32 to index
        %get3A_703 = arith.constant 48 : index
        %get3A_704 = tpu.vector_load %arg6[%get3A, %get3A_703] {strides = array<i32>} : memref<400x80xf32, #tpu.memory_space<vmem>>, vector<1x16xf32>,
        %get3A_705 = vector.shape_cast %get3A_704 : vector<1x16xf32> to vector<16xf32>
        %add3A_706 = arith.addf %scan3A_700, %get3A_705 : vector<16xf32>
        scf.yield %add3A_706 : vector<16xf32>
      }
      %scan3A_332 = arith.constant 50 : i32
      %mul3A_333 = arith.constant 2.000000e-02 : f32
      %mul3A_334 = vector.broadcast %mul3A_333 : f32 to vector<16xf32>
      %mul3A_335 = arith.mulf %scan3A_331, %mul3A_334 : vector<16xf32>
      %swap3A_336 = arith.constant 3 : i32
      %swap3A_337 = arith.index_cast %swap3A_336 : i32 to index
      %swap3A_338 = arith.constant 48 : index
      %swap3A_339 = tpu.vector_load %arg7[%swap3A_337, %swap3A_338] {strides = array<i32>} : memref<8x80xf32, #tpu.memory_space<vmem>>, vector<1x16xf32>,
      %swap3A_340 = vector.shape_cast %swap3A_339 : vector<1x16xf32> to vector<16xf32>
      %swap3A_341 = vector.shape_cast %mul3A_335 : vector<16xf32> to vector<1x16xf32>
      tpu.vector_store %arg7[%swap3A_337, %swap3A_338], %swap3A_341 {strides = array<i32>} : memref<8x80xf32, #tpu.memory_space<vmem>>, vector<1x16xf32>,
      %broadcast_in_dim3A_342 = arith.constant 0.000000e+00 : f32
      %broadcast_in_dim3A_343 = vector.broadcast %broadcast_in_dim3A_342 : f32 to vector<16xf32>
      %scan3A_344 = arith.constant 0 : i32
      %scan3A_345 = arith.constant 50 : i32
      %scan3A_346 = arith.addi %scan3A_344, %scan3A_345 : i32
      %scan3A_347 = arith.constant 1 : i32
      %scan3A_348 = scf.for %scan3A_699 = %scan3A_344 to %scan3A_346 step %scan3A_347 iter_args(%scan3A_700 = %broadcast_in_dim3A_343) -> (vector<16xf32>)  : i32 {
        %add3A_701 = arith.constant 150 : i32
        %add3A_702 = arith.addi %add3A_701, %scan3A_699 : i32
        %get3A = arith.index_cast %add3A_702 : i32 to index
        %get3A_703 = arith.constant 64 : index
        %get3A_704 = tpu.vector_load %arg6[%get3A, %get3A_703] {strides = array<i32>} : memref<400x80xf32, #tpu.memory_space<vmem>>, vector<1x16xf32>,
        %get3A_705 = vector.shape_cast %get3A_704 : vector<1x16xf32> to vector<16xf32>
        %add3A_706 = arith.addf %scan3A_700, %get3A_705 : vector<16xf32>
        scf.yield %add3A_706 : vector<16xf32>
      }
      %scan3A_349 = arith.constant 50 : i32
      %mul3A_350 = arith.constant 2.000000e-02 : f32
      %mul3A_351 = vector.broadcast %mul3A_350 : f32 to vector<16xf32>
      %mul3A_352 = arith.mulf %scan3A_348, %mul3A_351 : vector<16xf32>
      %swap3A_353 = arith.constant 3 : i32
      %swap3A_354 = arith.index_cast %swap3A_353 : i32 to index
      %swap3A_355 = arith.constant 64 : index
      %swap3A_356 = tpu.vector_load %arg7[%swap3A_354, %swap3A_355] {strides = array<i32>} : memref<8x80xf32, #tpu.memory_space<vmem>>, vector<1x16xf32>,
      %swap3A_357 = vector.shape_cast %swap3A_356 : vector<1x16xf32> to vector<16xf32>
      %swap3A_358 = vector.shape_cast %mul3A_352 : vector<16xf32> to vector<1x16xf32>
      tpu.vector_store %arg7[%swap3A_354, %swap3A_355], %swap3A_358 {strides = array<i32>} : memref<8x80xf32, #tpu.memory_space<vmem>>, vector<1x16xf32>,
      %broadcast_in_dim3A_359 = arith.constant 0.000000e+00 : f32
      %broadcast_in_dim3A_360 = vector.broadcast %broadcast_in_dim3A_359 : f32 to vector<16xf32>
      %scan3A_361 = arith.constant 0 : i32
      %scan3A_362 = arith.constant 50 : i32
      %scan3A_363 = arith.addi %scan3A_361, %scan3A_362 : i32
      %scan3A_364 = arith.constant 1 : i32
      %scan3A_365 = scf.for %scan3A_699 = %scan3A_361 to %scan3A_363 step %scan3A_364 iter_args(%scan3A_700 = %broadcast_in_dim3A_360) -> (vector<16xf32>)  : i32 {
        %add3A_701 = arith.constant 200 : i32
        %add3A_702 = arith.addi %add3A_701, %scan3A_699 : i32
        %get3A = arith.index_cast %add3A_702 : i32 to index
        %get3A_703 = arith.constant 0 : index
        %get3A_704 = tpu.vector_load %arg6[%get3A, %get3A_703] {strides = array<i32>} : memref<400x80xf32, #tpu.memory_space<vmem>>, vector<1x16xf32>,
        %get3A_705 = vector.shape_cast %get3A_704 : vector<1x16xf32> to vector<16xf32>
        %add3A_706 = arith.addf %scan3A_700, %get3A_705 : vector<16xf32>
        scf.yield %add3A_706 : vector<16xf32>
      }
      %scan3A_366 = arith.constant 50 : i32
      %mul3A_367 = arith.constant 2.000000e-02 : f32
      %mul3A_368 = vector.broadcast %mul3A_367 : f32 to vector<16xf32>
      %mul3A_369 = arith.mulf %scan3A_365, %mul3A_368 : vector<16xf32>
      %swap3A_370 = arith.constant 4 : i32
      %swap3A_371 = arith.index_cast %swap3A_370 : i32 to index
      %swap3A_372 = arith.constant 0 : index
      %swap3A_373 = tpu.vector_load %arg7[%swap3A_371, %swap3A_372] {strides = array<i32>} : memref<8x80xf32, #tpu.memory_space<vmem>>, vector<1x16xf32>,
      %swap3A_374 = vector.shape_cast %swap3A_373 : vector<1x16xf32> to vector<16xf32>
      %swap3A_375 = vector.shape_cast %mul3A_369 : vector<16xf32> to vector<1x16xf32>
      tpu.vector_store %arg7[%swap3A_371, %swap3A_372], %swap3A_375 {strides = array<i32>} : memref<8x80xf32, #tpu.memory_space<vmem>>, vector<1x16xf32>,
      %broadcast_in_dim3A_376 = arith.constant 0.000000e+00 : f32
      %broadcast_in_dim3A_377 = vector.broadcast %broadcast_in_dim3A_376 : f32 to vector<16xf32>
      %scan3A_378 = arith.constant 0 : i32
      %scan3A_379 = arith.constant 50 : i32
      %scan3A_380 = arith.addi %scan3A_378, %scan3A_379 : i32
      %scan3A_381 = arith.constant 1 : i32
      %scan3A_382 = scf.for %scan3A_699 = %scan3A_378 to %scan3A_380 step %scan3A_381 iter_args(%scan3A_700 = %broadcast_in_dim3A_377) -> (vector<16xf32>)  : i32 {
        %add3A_701 = arith.constant 200 : i32
        %add3A_702 = arith.addi %add3A_701, %scan3A_699 : i32
        %get3A = arith.index_cast %add3A_702 : i32 to index
        %get3A_703 = arith.constant 16 : index
        %get3A_704 = tpu.vector_load %arg6[%get3A, %get3A_703] {strides = array<i32>} : memref<400x80xf32, #tpu.memory_space<vmem>>, vector<1x16xf32>,
        %get3A_705 = vector.shape_cast %get3A_704 : vector<1x16xf32> to vector<16xf32>
        %add3A_706 = arith.addf %scan3A_700, %get3A_705 : vector<16xf32>
        scf.yield %add3A_706 : vector<16xf32>
      }
      %scan3A_383 = arith.constant 50 : i32
      %mul3A_384 = arith.constant 2.000000e-02 : f32
      %mul3A_385 = vector.broadcast %mul3A_384 : f32 to vector<16xf32>
      %mul3A_386 = arith.mulf %scan3A_382, %mul3A_385 : vector<16xf32>
      %swap3A_387 = arith.constant 4 : i32
      %swap3A_388 = arith.index_cast %swap3A_387 : i32 to index
      %swap3A_389 = arith.constant 16 : index
      %swap3A_390 = tpu.vector_load %arg7[%swap3A_388, %swap3A_389] {strides = array<i32>} : memref<8x80xf32, #tpu.memory_space<vmem>>, vector<1x16xf32>,
      %swap3A_391 = vector.shape_cast %swap3A_390 : vector<1x16xf32> to vector<16xf32>
      %swap3A_392 = vector.shape_cast %mul3A_386 : vector<16xf32> to vector<1x16xf32>
      tpu.vector_store %arg7[%swap3A_388, %swap3A_389], %swap3A_392 {strides = array<i32>} : memref<8x80xf32, #tpu.memory_space<vmem>>, vector<1x16xf32>,
      %broadcast_in_dim3A_393 = arith.constant 0.000000e+00 : f32
      %broadcast_in_dim3A_394 = vector.broadcast %broadcast_in_dim3A_393 : f32 to vector<16xf32>
      %scan3A_395 = arith.constant 0 : i32
      %scan3A_396 = arith.constant 50 : i32
      %scan3A_397 = arith.addi %scan3A_395, %scan3A_396 : i32
      %scan3A_398 = arith.constant 1 : i32
      %scan3A_399 = scf.for %scan3A_699 = %scan3A_395 to %scan3A_397 step %scan3A_398 iter_args(%scan3A_700 = %broadcast_in_dim3A_394) -> (vector<16xf32>)  : i32 {
        %add3A_701 = arith.constant 200 : i32
        %add3A_702 = arith.addi %add3A_701, %scan3A_699 : i32
        %get3A = arith.index_cast %add3A_702 : i32 to index
        %get3A_703 = arith.constant 32 : index
        %get3A_704 = tpu.vector_load %arg6[%get3A, %get3A_703] {strides = array<i32>} : memref<400x80xf32, #tpu.memory_space<vmem>>, vector<1x16xf32>,
        %get3A_705 = vector.shape_cast %get3A_704 : vector<1x16xf32> to vector<16xf32>
        %add3A_706 = arith.addf %scan3A_700, %get3A_705 : vector<16xf32>
        scf.yield %add3A_706 : vector<16xf32>
      }
      %scan3A_400 = arith.constant 50 : i32
      %mul3A_401 = arith.constant 2.000000e-02 : f32
      %mul3A_402 = vector.broadcast %mul3A_401 : f32 to vector<16xf32>
      %mul3A_403 = arith.mulf %scan3A_399, %mul3A_402 : vector<16xf32>
      %swap3A_404 = arith.constant 4 : i32
      %swap3A_405 = arith.index_cast %swap3A_404 : i32 to index
      %swap3A_406 = arith.constant 32 : index
      %swap3A_407 = tpu.vector_load %arg7[%swap3A_405, %swap3A_406] {strides = array<i32>} : memref<8x80xf32, #tpu.memory_space<vmem>>, vector<1x16xf32>,
      %swap3A_408 = vector.shape_cast %swap3A_407 : vector<1x16xf32> to vector<16xf32>
      %swap3A_409 = vector.shape_cast %mul3A_403 : vector<16xf32> to vector<1x16xf32>
      tpu.vector_store %arg7[%swap3A_405, %swap3A_406], %swap3A_409 {strides = array<i32>} : memref<8x80xf32, #tpu.memory_space<vmem>>, vector<1x16xf32>,
      %broadcast_in_dim3A_410 = arith.constant 0.000000e+00 : f32
      %broadcast_in_dim3A_411 = vector.broadcast %broadcast_in_dim3A_410 : f32 to vector<16xf32>
      %scan3A_412 = arith.constant 0 : i32
      %scan3A_413 = arith.constant 50 : i32
      %scan3A_414 = arith.addi %scan3A_412, %scan3A_413 : i32
      %scan3A_415 = arith.constant 1 : i32
      %scan3A_416 = scf.for %scan3A_699 = %scan3A_412 to %scan3A_414 step %scan3A_415 iter_args(%scan3A_700 = %broadcast_in_dim3A_411) -> (vector<16xf32>)  : i32 {
        %add3A_701 = arith.constant 200 : i32
        %add3A_702 = arith.addi %add3A_701, %scan3A_699 : i32
        %get3A = arith.index_cast %add3A_702 : i32 to index
        %get3A_703 = arith.constant 48 : index
        %get3A_704 = tpu.vector_load %arg6[%get3A, %get3A_703] {strides = array<i32>} : memref<400x80xf32, #tpu.memory_space<vmem>>, vector<1x16xf32>,
        %get3A_705 = vector.shape_cast %get3A_704 : vector<1x16xf32> to vector<16xf32>
        %add3A_706 = arith.addf %scan3A_700, %get3A_705 : vector<16xf32>
        scf.yield %add3A_706 : vector<16xf32>
      }
      %scan3A_417 = arith.constant 50 : i32
      %mul3A_418 = arith.constant 2.000000e-02 : f32
      %mul3A_419 = vector.broadcast %mul3A_418 : f32 to vector<16xf32>
      %mul3A_420 = arith.mulf %scan3A_416, %mul3A_419 : vector<16xf32>
      %swap3A_421 = arith.constant 4 : i32
      %swap3A_422 = arith.index_cast %swap3A_421 : i32 to index
      %swap3A_423 = arith.constant 48 : index
      %swap3A_424 = tpu.vector_load %arg7[%swap3A_422, %swap3A_423] {strides = array<i32>} : memref<8x80xf32, #tpu.memory_space<vmem>>, vector<1x16xf32>,
      %swap3A_425 = vector.shape_cast %swap3A_424 : vector<1x16xf32> to vector<16xf32>
      %swap3A_426 = vector.shape_cast %mul3A_420 : vector<16xf32> to vector<1x16xf32>
      tpu.vector_store %arg7[%swap3A_422, %swap3A_423], %swap3A_426 {strides = array<i32>} : memref<8x80xf32, #tpu.memory_space<vmem>>, vector<1x16xf32>,
      %broadcast_in_dim3A_427 = arith.constant 0.000000e+00 : f32
      %broadcast_in_dim3A_428 = vector.broadcast %broadcast_in_dim3A_427 : f32 to vector<16xf32>
      %scan3A_429 = arith.constant 0 : i32
      %scan3A_430 = arith.constant 50 : i32
      %scan3A_431 = arith.addi %scan3A_429, %scan3A_430 : i32
      %scan3A_432 = arith.constant 1 : i32
      %scan3A_433 = scf.for %scan3A_699 = %scan3A_429 to %scan3A_431 step %scan3A_432 iter_args(%scan3A_700 = %broadcast_in_dim3A_428) -> (vector<16xf32>)  : i32 {
        %add3A_701 = arith.constant 200 : i32
        %add3A_702 = arith.addi %add3A_701, %scan3A_699 : i32
        %get3A = arith.index_cast %add3A_702 : i32 to index
        %get3A_703 = arith.constant 64 : index
        %get3A_704 = tpu.vector_load %arg6[%get3A, %get3A_703] {strides = array<i32>} : memref<400x80xf32, #tpu.memory_space<vmem>>, vector<1x16xf32>,
        %get3A_705 = vector.shape_cast %get3A_704 : vector<1x16xf32> to vector<16xf32>
        %add3A_706 = arith.addf %scan3A_700, %get3A_705 : vector<16xf32>
        scf.yield %add3A_706 : vector<16xf32>
      }
      %scan3A_434 = arith.constant 50 : i32
      %mul3A_435 = arith.constant 2.000000e-02 : f32
      %mul3A_436 = vector.broadcast %mul3A_435 : f32 to vector<16xf32>
      %mul3A_437 = arith.mulf %scan3A_433, %mul3A_436 : vector<16xf32>
      %swap3A_438 = arith.constant 4 : i32
      %swap3A_439 = arith.index_cast %swap3A_438 : i32 to index
      %swap3A_440 = arith.constant 64 : index
      %swap3A_441 = tpu.vector_load %arg7[%swap3A_439, %swap3A_440] {strides = array<i32>} : memref<8x80xf32, #tpu.memory_space<vmem>>, vector<1x16xf32>,
      %swap3A_442 = vector.shape_cast %swap3A_441 : vector<1x16xf32> to vector<16xf32>
      %swap3A_443 = vector.shape_cast %mul3A_437 : vector<16xf32> to vector<1x16xf32>
      tpu.vector_store %arg7[%swap3A_439, %swap3A_440], %swap3A_443 {strides = array<i32>} : memref<8x80xf32, #tpu.memory_space<vmem>>, vector<1x16xf32>,
      %broadcast_in_dim3A_444 = arith.constant 0.000000e+00 : f32
      %broadcast_in_dim3A_445 = vector.broadcast %broadcast_in_dim3A_444 : f32 to vector<16xf32>
      %scan3A_446 = arith.constant 0 : i32
      %scan3A_447 = arith.constant 50 : i32
      %scan3A_448 = arith.addi %scan3A_446, %scan3A_447 : i32
      %scan3A_449 = arith.constant 1 : i32
      %scan3A_450 = scf.for %scan3A_699 = %scan3A_446 to %scan3A_448 step %scan3A_449 iter_args(%scan3A_700 = %broadcast_in_dim3A_445) -> (vector<16xf32>)  : i32 {
        %add3A_701 = arith.constant 250 : i32
        %add3A_702 = arith.addi %add3A_701, %scan3A_699 : i32
        %get3A = arith.index_cast %add3A_702 : i32 to index
        %get3A_703 = arith.constant 0 : index
        %get3A_704 = tpu.vector_load %arg6[%get3A, %get3A_703] {strides = array<i32>} : memref<400x80xf32, #tpu.memory_space<vmem>>, vector<1x16xf32>,
        %get3A_705 = vector.shape_cast %get3A_704 : vector<1x16xf32> to vector<16xf32>
        %add3A_706 = arith.addf %scan3A_700, %get3A_705 : vector<16xf32>
        scf.yield %add3A_706 : vector<16xf32>
      }
      %scan3A_451 = arith.constant 50 : i32
      %mul3A_452 = arith.constant 2.000000e-02 : f32
      %mul3A_453 = vector.broadcast %mul3A_452 : f32 to vector<16xf32>
      %mul3A_454 = arith.mulf %scan3A_450, %mul3A_453 : vector<16xf32>
      %swap3A_455 = arith.constant 5 : i32
      %swap3A_456 = arith.index_cast %swap3A_455 : i32 to index
      %swap3A_457 = arith.constant 0 : index
      %swap3A_458 = tpu.vector_load %arg7[%swap3A_456, %swap3A_457] {strides = array<i32>} : memref<8x80xf32, #tpu.memory_space<vmem>>, vector<1x16xf32>,
      %swap3A_459 = vector.shape_cast %swap3A_458 : vector<1x16xf32> to vector<16xf32>
      %swap3A_460 = vector.shape_cast %mul3A_454 : vector<16xf32> to vector<1x16xf32>
      tpu.vector_store %arg7[%swap3A_456, %swap3A_457], %swap3A_460 {strides = array<i32>} : memref<8x80xf32, #tpu.memory_space<vmem>>, vector<1x16xf32>,
      %broadcast_in_dim3A_461 = arith.constant 0.000000e+00 : f32
      %broadcast_in_dim3A_462 = vector.broadcast %broadcast_in_dim3A_461 : f32 to vector<16xf32>
      %scan3A_463 = arith.constant 0 : i32
      %scan3A_464 = arith.constant 50 : i32
      %scan3A_465 = arith.addi %scan3A_463, %scan3A_464 : i32
      %scan3A_466 = arith.constant 1 : i32
      %scan3A_467 = scf.for %scan3A_699 = %scan3A_463 to %scan3A_465 step %scan3A_466 iter_args(%scan3A_700 = %broadcast_in_dim3A_462) -> (vector<16xf32>)  : i32 {
        %add3A_701 = arith.constant 250 : i32
        %add3A_702 = arith.addi %add3A_701, %scan3A_699 : i32
        %get3A = arith.index_cast %add3A_702 : i32 to index
        %get3A_703 = arith.constant 16 : index
        %get3A_704 = tpu.vector_load %arg6[%get3A, %get3A_703] {strides = array<i32>} : memref<400x80xf32, #tpu.memory_space<vmem>>, vector<1x16xf32>,
        %get3A_705 = vector.shape_cast %get3A_704 : vector<1x16xf32> to vector<16xf32>
        %add3A_706 = arith.addf %scan3A_700, %get3A_705 : vector<16xf32>
        scf.yield %add3A_706 : vector<16xf32>
      }
      %scan3A_468 = arith.constant 50 : i32
      %mul3A_469 = arith.constant 2.000000e-02 : f32
      %mul3A_470 = vector.broadcast %mul3A_469 : f32 to vector<16xf32>
      %mul3A_471 = arith.mulf %scan3A_467, %mul3A_470 : vector<16xf32>
      %swap3A_472 = arith.constant 5 : i32
      %swap3A_473 = arith.index_cast %swap3A_472 : i32 to index
      %swap3A_474 = arith.constant 16 : index
      %swap3A_475 = tpu.vector_load %arg7[%swap3A_473, %swap3A_474] {strides = array<i32>} : memref<8x80xf32, #tpu.memory_space<vmem>>, vector<1x16xf32>,
      %swap3A_476 = vector.shape_cast %swap3A_475 : vector<1x16xf32> to vector<16xf32>
      %swap3A_477 = vector.shape_cast %mul3A_471 : vector<16xf32> to vector<1x16xf32>
      tpu.vector_store %arg7[%swap3A_473, %swap3A_474], %swap3A_477 {strides = array<i32>} : memref<8x80xf32, #tpu.memory_space<vmem>>, vector<1x16xf32>,
      %broadcast_in_dim3A_478 = arith.constant 0.000000e+00 : f32
      %broadcast_in_dim3A_479 = vector.broadcast %broadcast_in_dim3A_478 : f32 to vector<16xf32>
      %scan3A_480 = arith.constant 0 : i32
      %scan3A_481 = arith.constant 50 : i32
      %scan3A_482 = arith.addi %scan3A_480, %scan3A_481 : i32
      %scan3A_483 = arith.constant 1 : i32
      %scan3A_484 = scf.for %scan3A_699 = %scan3A_480 to %scan3A_482 step %scan3A_483 iter_args(%scan3A_700 = %broadcast_in_dim3A_479) -> (vector<16xf32>)  : i32 {
        %add3A_701 = arith.constant 250 : i32
        %add3A_702 = arith.addi %add3A_701, %scan3A_699 : i32
        %get3A = arith.index_cast %add3A_702 : i32 to index
        %get3A_703 = arith.constant 32 : index
        %get3A_704 = tpu.vector_load %arg6[%get3A, %get3A_703] {strides = array<i32>} : memref<400x80xf32, #tpu.memory_space<vmem>>, vector<1x16xf32>,
        %get3A_705 = vector.shape_cast %get3A_704 : vector<1x16xf32> to vector<16xf32>
        %add3A_706 = arith.addf %scan3A_700, %get3A_705 : vector<16xf32>
        scf.yield %add3A_706 : vector<16xf32>
      }
      %scan3A_485 = arith.constant 50 : i32
      %mul3A_486 = arith.constant 2.000000e-02 : f32
      %mul3A_487 = vector.broadcast %mul3A_486 : f32 to vector<16xf32>
      %mul3A_488 = arith.mulf %scan3A_484, %mul3A_487 : vector<16xf32>
      %swap3A_489 = arith.constant 5 : i32
      %swap3A_490 = arith.index_cast %swap3A_489 : i32 to index
      %swap3A_491 = arith.constant 32 : index
      %swap3A_492 = tpu.vector_load %arg7[%swap3A_490, %swap3A_491] {strides = array<i32>} : memref<8x80xf32, #tpu.memory_space<vmem>>, vector<1x16xf32>,
      %swap3A_493 = vector.shape_cast %swap3A_492 : vector<1x16xf32> to vector<16xf32>
      %swap3A_494 = vector.shape_cast %mul3A_488 : vector<16xf32> to vector<1x16xf32>
      tpu.vector_store %arg7[%swap3A_490, %swap3A_491], %swap3A_494 {strides = array<i32>} : memref<8x80xf32, #tpu.memory_space<vmem>>, vector<1x16xf32>,
      %broadcast_in_dim3A_495 = arith.constant 0.000000e+00 : f32
      %broadcast_in_dim3A_496 = vector.broadcast %broadcast_in_dim3A_495 : f32 to vector<16xf32>
      %scan3A_497 = arith.constant 0 : i32
      %scan3A_498 = arith.constant 50 : i32
      %scan3A_499 = arith.addi %scan3A_497, %scan3A_498 : i32
      %scan3A_500 = arith.constant 1 : i32
      %scan3A_501 = scf.for %scan3A_699 = %scan3A_497 to %scan3A_499 step %scan3A_500 iter_args(%scan3A_700 = %broadcast_in_dim3A_496) -> (vector<16xf32>)  : i32 {
        %add3A_701 = arith.constant 250 : i32
        %add3A_702 = arith.addi %add3A_701, %scan3A_699 : i32
        %get3A = arith.index_cast %add3A_702 : i32 to index
        %get3A_703 = arith.constant 48 : index
        %get3A_704 = tpu.vector_load %arg6[%get3A, %get3A_703] {strides = array<i32>} : memref<400x80xf32, #tpu.memory_space<vmem>>, vector<1x16xf32>,
        %get3A_705 = vector.shape_cast %get3A_704 : vector<1x16xf32> to vector<16xf32>
        %add3A_706 = arith.addf %scan3A_700, %get3A_705 : vector<16xf32>
        scf.yield %add3A_706 : vector<16xf32>
      }
      %scan3A_502 = arith.constant 50 : i32
      %mul3A_503 = arith.constant 2.000000e-02 : f32
      %mul3A_504 = vector.broadcast %mul3A_503 : f32 to vector<16xf32>
      %mul3A_505 = arith.mulf %scan3A_501, %mul3A_504 : vector<16xf32>
      %swap3A_506 = arith.constant 5 : i32
      %swap3A_507 = arith.index_cast %swap3A_506 : i32 to index
      %swap3A_508 = arith.constant 48 : index
      %swap3A_509 = tpu.vector_load %arg7[%swap3A_507, %swap3A_508] {strides = array<i32>} : memref<8x80xf32, #tpu.memory_space<vmem>>, vector<1x16xf32>,
      %swap3A_510 = vector.shape_cast %swap3A_509 : vector<1x16xf32> to vector<16xf32>
      %swap3A_511 = vector.shape_cast %mul3A_505 : vector<16xf32> to vector<1x16xf32>
      tpu.vector_store %arg7[%swap3A_507, %swap3A_508], %swap3A_511 {strides = array<i32>} : memref<8x80xf32, #tpu.memory_space<vmem>>, vector<1x16xf32>,
      %broadcast_in_dim3A_512 = arith.constant 0.000000e+00 : f32
      %broadcast_in_dim3A_513 = vector.broadcast %broadcast_in_dim3A_512 : f32 to vector<16xf32>
      %scan3A_514 = arith.constant 0 : i32
      %scan3A_515 = arith.constant 50 : i32
      %scan3A_516 = arith.addi %scan3A_514, %scan3A_515 : i32
      %scan3A_517 = arith.constant 1 : i32
      %scan3A_518 = scf.for %scan3A_699 = %scan3A_514 to %scan3A_516 step %scan3A_517 iter_args(%scan3A_700 = %broadcast_in_dim3A_513) -> (vector<16xf32>)  : i32 {
        %add3A_701 = arith.constant 250 : i32
        %add3A_702 = arith.addi %add3A_701, %scan3A_699 : i32
        %get3A = arith.index_cast %add3A_702 : i32 to index
        %get3A_703 = arith.constant 64 : index
        %get3A_704 = tpu.vector_load %arg6[%get3A, %get3A_703] {strides = array<i32>} : memref<400x80xf32, #tpu.memory_space<vmem>>, vector<1x16xf32>,
        %get3A_705 = vector.shape_cast %get3A_704 : vector<1x16xf32> to vector<16xf32>
        %add3A_706 = arith.addf %scan3A_700, %get3A_705 : vector<16xf32>
        scf.yield %add3A_706 : vector<16xf32>
      }
      %scan3A_519 = arith.constant 50 : i32
      %mul3A_520 = arith.constant 2.000000e-02 : f32
      %mul3A_521 = vector.broadcast %mul3A_520 : f32 to vector<16xf32>
      %mul3A_522 = arith.mulf %scan3A_518, %mul3A_521 : vector<16xf32>
      %swap3A_523 = arith.constant 5 : i32
      %swap3A_524 = arith.index_cast %swap3A_523 : i32 to index
      %swap3A_525 = arith.constant 64 : index
      %swap3A_526 = tpu.vector_load %arg7[%swap3A_524, %swap3A_525] {strides = array<i32>} : memref<8x80xf32, #tpu.memory_space<vmem>>, vector<1x16xf32>,
      %swap3A_527 = vector.shape_cast %swap3A_526 : vector<1x16xf32> to vector<16xf32>
      %swap3A_528 = vector.shape_cast %mul3A_522 : vector<16xf32> to vector<1x16xf32>
      tpu.vector_store %arg7[%swap3A_524, %swap3A_525], %swap3A_528 {strides = array<i32>} : memref<8x80xf32, #tpu.memory_space<vmem>>, vector<1x16xf32>,
      %broadcast_in_dim3A_529 = arith.constant 0.000000e+00 : f32
      %broadcast_in_dim3A_530 = vector.broadcast %broadcast_in_dim3A_529 : f32 to vector<16xf32>
      %scan3A_531 = arith.constant 0 : i32
      %scan3A_532 = arith.constant 50 : i32
      %scan3A_533 = arith.addi %scan3A_531, %scan3A_532 : i32
      %scan3A_534 = arith.constant 1 : i32
      %scan3A_535 = scf.for %scan3A_699 = %scan3A_531 to %scan3A_533 step %scan3A_534 iter_args(%scan3A_700 = %broadcast_in_dim3A_530) -> (vector<16xf32>)  : i32 {
        %add3A_701 = arith.constant 300 : i32
        %add3A_702 = arith.addi %add3A_701, %scan3A_699 : i32
        %get3A = arith.index_cast %add3A_702 : i32 to index
        %get3A_703 = arith.constant 0 : index
        %get3A_704 = tpu.vector_load %arg6[%get3A, %get3A_703] {strides = array<i32>} : memref<400x80xf32, #tpu.memory_space<vmem>>, vector<1x16xf32>,
        %get3A_705 = vector.shape_cast %get3A_704 : vector<1x16xf32> to vector<16xf32>
        %add3A_706 = arith.addf %scan3A_700, %get3A_705 : vector<16xf32>
        scf.yield %add3A_706 : vector<16xf32>
      }
      %scan3A_536 = arith.constant 50 : i32
      %mul3A_537 = arith.constant 2.000000e-02 : f32
      %mul3A_538 = vector.broadcast %mul3A_537 : f32 to vector<16xf32>
      %mul3A_539 = arith.mulf %scan3A_535, %mul3A_538 : vector<16xf32>
      %swap3A_540 = arith.constant 6 : i32
      %swap3A_541 = arith.index_cast %swap3A_540 : i32 to index
      %swap3A_542 = arith.constant 0 : index
      %swap3A_543 = tpu.vector_load %arg7[%swap3A_541, %swap3A_542] {strides = array<i32>} : memref<8x80xf32, #tpu.memory_space<vmem>>, vector<1x16xf32>,
      %swap3A_544 = vector.shape_cast %swap3A_543 : vector<1x16xf32> to vector<16xf32>
      %swap3A_545 = vector.shape_cast %mul3A_539 : vector<16xf32> to vector<1x16xf32>
      tpu.vector_store %arg7[%swap3A_541, %swap3A_542], %swap3A_545 {strides = array<i32>} : memref<8x80xf32, #tpu.memory_space<vmem>>, vector<1x16xf32>,
      %broadcast_in_dim3A_546 = arith.constant 0.000000e+00 : f32
      %broadcast_in_dim3A_547 = vector.broadcast %broadcast_in_dim3A_546 : f32 to vector<16xf32>
      %scan3A_548 = arith.constant 0 : i32
      %scan3A_549 = arith.constant 50 : i32
      %scan3A_550 = arith.addi %scan3A_548, %scan3A_549 : i32
      %scan3A_551 = arith.constant 1 : i32
      %scan3A_552 = scf.for %scan3A_699 = %scan3A_548 to %scan3A_550 step %scan3A_551 iter_args(%scan3A_700 = %broadcast_in_dim3A_547) -> (vector<16xf32>)  : i32 {
        %add3A_701 = arith.constant 300 : i32
        %add3A_702 = arith.addi %add3A_701, %scan3A_699 : i32
        %get3A = arith.index_cast %add3A_702 : i32 to index
        %get3A_703 = arith.constant 16 : index
        %get3A_704 = tpu.vector_load %arg6[%get3A, %get3A_703] {strides = array<i32>} : memref<400x80xf32, #tpu.memory_space<vmem>>, vector<1x16xf32>,
        %get3A_705 = vector.shape_cast %get3A_704 : vector<1x16xf32> to vector<16xf32>
        %add3A_706 = arith.addf %scan3A_700, %get3A_705 : vector<16xf32>
        scf.yield %add3A_706 : vector<16xf32>
      }
      %scan3A_553 = arith.constant 50 : i32
      %mul3A_554 = arith.constant 2.000000e-02 : f32
      %mul3A_555 = vector.broadcast %mul3A_554 : f32 to vector<16xf32>
      %mul3A_556 = arith.mulf %scan3A_552, %mul3A_555 : vector<16xf32>
      %swap3A_557 = arith.constant 6 : i32
      %swap3A_558 = arith.index_cast %swap3A_557 : i32 to index
      %swap3A_559 = arith.constant 16 : index
      %swap3A_560 = tpu.vector_load %arg7[%swap3A_558, %swap3A_559] {strides = array<i32>} : memref<8x80xf32, #tpu.memory_space<vmem>>, vector<1x16xf32>,
      %swap3A_561 = vector.shape_cast %swap3A_560 : vector<1x16xf32> to vector<16xf32>
      %swap3A_562 = vector.shape_cast %mul3A_556 : vector<16xf32> to vector<1x16xf32>
      tpu.vector_store %arg7[%swap3A_558, %swap3A_559], %swap3A_562 {strides = array<i32>} : memref<8x80xf32, #tpu.memory_space<vmem>>, vector<1x16xf32>,
      %broadcast_in_dim3A_563 = arith.constant 0.000000e+00 : f32
      %broadcast_in_dim3A_564 = vector.broadcast %broadcast_in_dim3A_563 : f32 to vector<16xf32>
      %scan3A_565 = arith.constant 0 : i32
      %scan3A_566 = arith.constant 50 : i32
      %scan3A_567 = arith.addi %scan3A_565, %scan3A_566 : i32
      %scan3A_568 = arith.constant 1 : i32
      %scan3A_569 = scf.for %scan3A_699 = %scan3A_565 to %scan3A_567 step %scan3A_568 iter_args(%scan3A_700 = %broadcast_in_dim3A_564) -> (vector<16xf32>)  : i32 {
        %add3A_701 = arith.constant 300 : i32
        %add3A_702 = arith.addi %add3A_701, %scan3A_699 : i32
        %get3A = arith.index_cast %add3A_702 : i32 to index
        %get3A_703 = arith.constant 32 : index
        %get3A_704 = tpu.vector_load %arg6[%get3A, %get3A_703] {strides = array<i32>} : memref<400x80xf32, #tpu.memory_space<vmem>>, vector<1x16xf32>,
        %get3A_705 = vector.shape_cast %get3A_704 : vector<1x16xf32> to vector<16xf32>
        %add3A_706 = arith.addf %scan3A_700, %get3A_705 : vector<16xf32>
        scf.yield %add3A_706 : vector<16xf32>
      }
      %scan3A_570 = arith.constant 50 : i32
      %mul3A_571 = arith.constant 2.000000e-02 : f32
      %mul3A_572 = vector.broadcast %mul3A_571 : f32 to vector<16xf32>
      %mul3A_573 = arith.mulf %scan3A_569, %mul3A_572 : vector<16xf32>
      %swap3A_574 = arith.constant 6 : i32
      %swap3A_575 = arith.index_cast %swap3A_574 : i32 to index
      %swap3A_576 = arith.constant 32 : index
      %swap3A_577 = tpu.vector_load %arg7[%swap3A_575, %swap3A_576] {strides = array<i32>} : memref<8x80xf32, #tpu.memory_space<vmem>>, vector<1x16xf32>,
      %swap3A_578 = vector.shape_cast %swap3A_577 : vector<1x16xf32> to vector<16xf32>
      %swap3A_579 = vector.shape_cast %mul3A_573 : vector<16xf32> to vector<1x16xf32>
      tpu.vector_store %arg7[%swap3A_575, %swap3A_576], %swap3A_579 {strides = array<i32>} : memref<8x80xf32, #tpu.memory_space<vmem>>, vector<1x16xf32>,
      %broadcast_in_dim3A_580 = arith.constant 0.000000e+00 : f32
      %broadcast_in_dim3A_581 = vector.broadcast %broadcast_in_dim3A_580 : f32 to vector<16xf32>
      %scan3A_582 = arith.constant 0 : i32
      %scan3A_583 = arith.constant 50 : i32
      %scan3A_584 = arith.addi %scan3A_582, %scan3A_583 : i32
      %scan3A_585 = arith.constant 1 : i32
      %scan3A_586 = scf.for %scan3A_699 = %scan3A_582 to %scan3A_584 step %scan3A_585 iter_args(%scan3A_700 = %broadcast_in_dim3A_581) -> (vector<16xf32>)  : i32 {
        %add3A_701 = arith.constant 300 : i32
        %add3A_702 = arith.addi %add3A_701, %scan3A_699 : i32
        %get3A = arith.index_cast %add3A_702 : i32 to index
        %get3A_703 = arith.constant 48 : index
        %get3A_704 = tpu.vector_load %arg6[%get3A, %get3A_703] {strides = array<i32>} : memref<400x80xf32, #tpu.memory_space<vmem>>, vector<1x16xf32>,
        %get3A_705 = vector.shape_cast %get3A_704 : vector<1x16xf32> to vector<16xf32>
        %add3A_706 = arith.addf %scan3A_700, %get3A_705 : vector<16xf32>
        scf.yield %add3A_706 : vector<16xf32>
      }
      %scan3A_587 = arith.constant 50 : i32
      %mul3A_588 = arith.constant 2.000000e-02 : f32
      %mul3A_589 = vector.broadcast %mul3A_588 : f32 to vector<16xf32>
      %mul3A_590 = arith.mulf %scan3A_586, %mul3A_589 : vector<16xf32>
      %swap3A_591 = arith.constant 6 : i32
      %swap3A_592 = arith.index_cast %swap3A_591 : i32 to index
      %swap3A_593 = arith.constant 48 : index
      %swap3A_594 = tpu.vector_load %arg7[%swap3A_592, %swap3A_593] {strides = array<i32>} : memref<8x80xf32, #tpu.memory_space<vmem>>, vector<1x16xf32>,
      %swap3A_595 = vector.shape_cast %swap3A_594 : vector<1x16xf32> to vector<16xf32>
      %swap3A_596 = vector.shape_cast %mul3A_590 : vector<16xf32> to vector<1x16xf32>
      tpu.vector_store %arg7[%swap3A_592, %swap3A_593], %swap3A_596 {strides = array<i32>} : memref<8x80xf32, #tpu.memory_space<vmem>>, vector<1x16xf32>,
      %broadcast_in_dim3A_597 = arith.constant 0.000000e+00 : f32
      %broadcast_in_dim3A_598 = vector.broadcast %broadcast_in_dim3A_597 : f32 to vector<16xf32>
      %scan3A_599 = arith.constant 0 : i32
      %scan3A_600 = arith.constant 50 : i32
      %scan3A_601 = arith.addi %scan3A_599, %scan3A_600 : i32
      %scan3A_602 = arith.constant 1 : i32
      %scan3A_603 = scf.for %scan3A_699 = %scan3A_599 to %scan3A_601 step %scan3A_602 iter_args(%scan3A_700 = %broadcast_in_dim3A_598) -> (vector<16xf32>)  : i32 {
        %add3A_701 = arith.constant 300 : i32
        %add3A_702 = arith.addi %add3A_701, %scan3A_699 : i32
        %get3A = arith.index_cast %add3A_702 : i32 to index
        %get3A_703 = arith.constant 64 : index
        %get3A_704 = tpu.vector_load %arg6[%get3A, %get3A_703] {strides = array<i32>} : memref<400x80xf32, #tpu.memory_space<vmem>>, vector<1x16xf32>,
        %get3A_705 = vector.shape_cast %get3A_704 : vector<1x16xf32> to vector<16xf32>
        %add3A_706 = arith.addf %scan3A_700, %get3A_705 : vector<16xf32>
        scf.yield %add3A_706 : vector<16xf32>
      }
      %scan3A_604 = arith.constant 50 : i32
      %mul3A_605 = arith.constant 2.000000e-02 : f32
      %mul3A_606 = vector.broadcast %mul3A_605 : f32 to vector<16xf32>
      %mul3A_607 = arith.mulf %scan3A_603, %mul3A_606 : vector<16xf32>
      %swap3A_608 = arith.constant 6 : i32
      %swap3A_609 = arith.index_cast %swap3A_608 : i32 to index
      %swap3A_610 = arith.constant 64 : index
      %swap3A_611 = tpu.vector_load %arg7[%swap3A_609, %swap3A_610] {strides = array<i32>} : memref<8x80xf32, #tpu.memory_space<vmem>>, vector<1x16xf32>,
      %swap3A_612 = vector.shape_cast %swap3A_611 : vector<1x16xf32> to vector<16xf32>
      %swap3A_613 = vector.shape_cast %mul3A_607 : vector<16xf32> to vector<1x16xf32>
      tpu.vector_store %arg7[%swap3A_609, %swap3A_610], %swap3A_613 {strides = array<i32>} : memref<8x80xf32, #tpu.memory_space<vmem>>, vector<1x16xf32>,
      %broadcast_in_dim3A_614 = arith.constant 0.000000e+00 : f32
      %broadcast_in_dim3A_615 = vector.broadcast %broadcast_in_dim3A_614 : f32 to vector<16xf32>
      %scan3A_616 = arith.constant 0 : i32
      %scan3A_617 = arith.constant 50 : i32
      %scan3A_618 = arith.addi %scan3A_616, %scan3A_617 : i32
      %scan3A_619 = arith.constant 1 : i32
      %scan3A_620 = scf.for %scan3A_699 = %scan3A_616 to %scan3A_618 step %scan3A_619 iter_args(%scan3A_700 = %broadcast_in_dim3A_615) -> (vector<16xf32>)  : i32 {
        %add3A_701 = arith.constant 350 : i32
        %add3A_702 = arith.addi %add3A_701, %scan3A_699 : i32
        %get3A = arith.index_cast %add3A_702 : i32 to index
        %get3A_703 = arith.constant 0 : index
        %get3A_704 = tpu.vector_load %arg6[%get3A, %get3A_703] {strides = array<i32>} : memref<400x80xf32, #tpu.memory_space<vmem>>, vector<1x16xf32>,
        %get3A_705 = vector.shape_cast %get3A_704 : vector<1x16xf32> to vector<16xf32>
        %add3A_706 = arith.addf %scan3A_700, %get3A_705 : vector<16xf32>
        scf.yield %add3A_706 : vector<16xf32>
      }
      %scan3A_621 = arith.constant 50 : i32
      %mul3A_622 = arith.constant 2.000000e-02 : f32
      %mul3A_623 = vector.broadcast %mul3A_622 : f32 to vector<16xf32>
      %mul3A_624 = arith.mulf %scan3A_620, %mul3A_623 : vector<16xf32>
      %swap3A_625 = arith.constant 7 : i32
      %swap3A_626 = arith.index_cast %swap3A_625 : i32 to index
      %swap3A_627 = arith.constant 0 : index
      %swap3A_628 = tpu.vector_load %arg7[%swap3A_626, %swap3A_627] {strides = array<i32>} : memref<8x80xf32, #tpu.memory_space<vmem>>, vector<1x16xf32>,
      %swap3A_629 = vector.shape_cast %swap3A_628 : vector<1x16xf32> to vector<16xf32>
      %swap3A_630 = vector.shape_cast %mul3A_624 : vector<16xf32> to vector<1x16xf32>
      tpu.vector_store %arg7[%swap3A_626, %swap3A_627], %swap3A_630 {strides = array<i32>} : memref<8x80xf32, #tpu.memory_space<vmem>>, vector<1x16xf32>,
      %broadcast_in_dim3A_631 = arith.constant 0.000000e+00 : f32
      %broadcast_in_dim3A_632 = vector.broadcast %broadcast_in_dim3A_631 : f32 to vector<16xf32>
      %scan3A_633 = arith.constant 0 : i32
      %scan3A_634 = arith.constant 50 : i32
      %scan3A_635 = arith.addi %scan3A_633, %scan3A_634 : i32
      %scan3A_636 = arith.constant 1 : i32
      %scan3A_637 = scf.for %scan3A_699 = %scan3A_633 to %scan3A_635 step %scan3A_636 iter_args(%scan3A_700 = %broadcast_in_dim3A_632) -> (vector<16xf32>)  : i32 {
        %add3A_701 = arith.constant 350 : i32
        %add3A_702 = arith.addi %add3A_701, %scan3A_699 : i32
        %get3A = arith.index_cast %add3A_702 : i32 to index
        %get3A_703 = arith.constant 16 : index
        %get3A_704 = tpu.vector_load %arg6[%get3A, %get3A_703] {strides = array<i32>} : memref<400x80xf32, #tpu.memory_space<vmem>>, vector<1x16xf32>,
        %get3A_705 = vector.shape_cast %get3A_704 : vector<1x16xf32> to vector<16xf32>
        %add3A_706 = arith.addf %scan3A_700, %get3A_705 : vector<16xf32>
        scf.yield %add3A_706 : vector<16xf32>
      }
      %scan3A_638 = arith.constant 50 : i32
      %mul3A_639 = arith.constant 2.000000e-02 : f32
      %mul3A_640 = vector.broadcast %mul3A_639 : f32 to vector<16xf32>
      %mul3A_641 = arith.mulf %scan3A_637, %mul3A_640 : vector<16xf32>
      %swap3A_642 = arith.constant 7 : i32
      %swap3A_643 = arith.index_cast %swap3A_642 : i32 to index
      %swap3A_644 = arith.constant 16 : index
      %swap3A_645 = tpu.vector_load %arg7[%swap3A_643, %swap3A_644] {strides = array<i32>} : memref<8x80xf32, #tpu.memory_space<vmem>>, vector<1x16xf32>,
      %swap3A_646 = vector.shape_cast %swap3A_645 : vector<1x16xf32> to vector<16xf32>
      %swap3A_647 = vector.shape_cast %mul3A_641 : vector<16xf32> to vector<1x16xf32>
      tpu.vector_store %arg7[%swap3A_643, %swap3A_644], %swap3A_647 {strides = array<i32>} : memref<8x80xf32, #tpu.memory_space<vmem>>, vector<1x16xf32>,
      %broadcast_in_dim3A_648 = arith.constant 0.000000e+00 : f32
      %broadcast_in_dim3A_649 = vector.broadcast %broadcast_in_dim3A_648 : f32 to vector<16xf32>
      %scan3A_650 = arith.constant 0 : i32
      %scan3A_651 = arith.constant 50 : i32
      %scan3A_652 = arith.addi %scan3A_650, %scan3A_651 : i32
      %scan3A_653 = arith.constant 1 : i32
      %scan3A_654 = scf.for %scan3A_699 = %scan3A_650 to %scan3A_652 step %scan3A_653 iter_args(%scan3A_700 = %broadcast_in_dim3A_649) -> (vector<16xf32>)  : i32 {
        %add3A_701 = arith.constant 350 : i32
        %add3A_702 = arith.addi %add3A_701, %scan3A_699 : i32
        %get3A = arith.index_cast %add3A_702 : i32 to index
        %get3A_703 = arith.constant 32 : index
        %get3A_704 = tpu.vector_load %arg6[%get3A, %get3A_703] {strides = array<i32>} : memref<400x80xf32, #tpu.memory_space<vmem>>, vector<1x16xf32>,
        %get3A_705 = vector.shape_cast %get3A_704 : vector<1x16xf32> to vector<16xf32>
        %add3A_706 = arith.addf %scan3A_700, %get3A_705 : vector<16xf32>
        scf.yield %add3A_706 : vector<16xf32>
      }
      %scan3A_655 = arith.constant 50 : i32
      %mul3A_656 = arith.constant 2.000000e-02 : f32
      %mul3A_657 = vector.broadcast %mul3A_656 : f32 to vector<16xf32>
      %mul3A_658 = arith.mulf %scan3A_654, %mul3A_657 : vector<16xf32>
      %swap3A_659 = arith.constant 7 : i32
      %swap3A_660 = arith.index_cast %swap3A_659 : i32 to index
      %swap3A_661 = arith.constant 32 : index
      %swap3A_662 = tpu.vector_load %arg7[%swap3A_660, %swap3A_661] {strides = array<i32>} : memref<8x80xf32, #tpu.memory_space<vmem>>, vector<1x16xf32>,
      %swap3A_663 = vector.shape_cast %swap3A_662 : vector<1x16xf32> to vector<16xf32>
      %swap3A_664 = vector.shape_cast %mul3A_658 : vector<16xf32> to vector<1x16xf32>
      tpu.vector_store %arg7[%swap3A_660, %swap3A_661], %swap3A_664 {strides = array<i32>} : memref<8x80xf32, #tpu.memory_space<vmem>>, vector<1x16xf32>,
      %broadcast_in_dim3A_665 = arith.constant 0.000000e+00 : f32
      %broadcast_in_dim3A_666 = vector.broadcast %broadcast_in_dim3A_665 : f32 to vector<16xf32>
      %scan3A_667 = arith.constant 0 : i32
      %scan3A_668 = arith.constant 50 : i32
      %scan3A_669 = arith.addi %scan3A_667, %scan3A_668 : i32
      %scan3A_670 = arith.constant 1 : i32
      %scan3A_671 = scf.for %scan3A_699 = %scan3A_667 to %scan3A_669 step %scan3A_670 iter_args(%scan3A_700 = %broadcast_in_dim3A_666) -> (vector<16xf32>)  : i32 {
        %add3A_701 = arith.constant 350 : i32
        %add3A_702 = arith.addi %add3A_701, %scan3A_699 : i32
        %get3A = arith.index_cast %add3A_702 : i32 to index
        %get3A_703 = arith.constant 48 : index
        %get3A_704 = tpu.vector_load %arg6[%get3A, %get3A_703] {strides = array<i32>} : memref<400x80xf32, #tpu.memory_space<vmem>>, vector<1x16xf32>,
        %get3A_705 = vector.shape_cast %get3A_704 : vector<1x16xf32> to vector<16xf32>
        %add3A_706 = arith.addf %scan3A_700, %get3A_705 : vector<16xf32>
        scf.yield %add3A_706 : vector<16xf32>
      }
      %scan3A_672 = arith.constant 50 : i32
      %mul3A_673 = arith.constant 2.000000e-02 : f32
      %mul3A_674 = vector.broadcast %mul3A_673 : f32 to vector<16xf32>
      %mul3A_675 = arith.mulf %scan3A_671, %mul3A_674 : vector<16xf32>
      %swap3A_676 = arith.constant 7 : i32
      %swap3A_677 = arith.index_cast %swap3A_676 : i32 to index
      %swap3A_678 = arith.constant 48 : index
      %swap3A_679 = tpu.vector_load %arg7[%swap3A_677, %swap3A_678] {strides = array<i32>} : memref<8x80xf32, #tpu.memory_space<vmem>>, vector<1x16xf32>,
      %swap3A_680 = vector.shape_cast %swap3A_679 : vector<1x16xf32> to vector<16xf32>
      %swap3A_681 = vector.shape_cast %mul3A_675 : vector<16xf32> to vector<1x16xf32>
      tpu.vector_store %arg7[%swap3A_677, %swap3A_678], %swap3A_681 {strides = array<i32>} : memref<8x80xf32, #tpu.memory_space<vmem>>, vector<1x16xf32>,
      %broadcast_in_dim3A_682 = arith.constant 0.000000e+00 : f32
      %broadcast_in_dim3A_683 = vector.broadcast %broadcast_in_dim3A_682 : f32 to vector<16xf32>
      %scan3A_684 = arith.constant 0 : i32
      %scan3A_685 = arith.constant 50 : i32
      %scan3A_686 = arith.addi %scan3A_684, %scan3A_685 : i32
      %scan3A_687 = arith.constant 1 : i32
      %scan3A_688 = scf.for %scan3A_699 = %scan3A_684 to %scan3A_686 step %scan3A_687 iter_args(%scan3A_700 = %broadcast_in_dim3A_683) -> (vector<16xf32>)  : i32 {
        %add3A_701 = arith.constant 350 : i32
        %add3A_702 = arith.addi %add3A_701, %scan3A_699 : i32
        %get3A = arith.index_cast %add3A_702 : i32 to index
        %get3A_703 = arith.constant 64 : index
        %get3A_704 = tpu.vector_load %arg6[%get3A, %get3A_703] {strides = array<i32>} : memref<400x80xf32, #tpu.memory_space<vmem>>, vector<1x16xf32>,
        %get3A_705 = vector.shape_cast %get3A_704 : vector<1x16xf32> to vector<16xf32>
        %add3A_706 = arith.addf %scan3A_700, %get3A_705 : vector<16xf32>
        scf.yield %add3A_706 : vector<16xf32>
      }
      %scan3A_689 = arith.constant 50 : i32
      %mul3A_690 = arith.constant 2.000000e-02 : f32
      %mul3A_691 = vector.broadcast %mul3A_690 : f32 to vector<16xf32>
      %mul3A_692 = arith.mulf %scan3A_688, %mul3A_691 : vector<16xf32>
      %swap3A_693 = arith.constant 7 : i32
      %swap3A_694 = arith.index_cast %swap3A_693 : i32 to index
      %swap3A_695 = arith.constant 64 : index
      %swap3A_696 = tpu.vector_load %arg7[%swap3A_694, %swap3A_695] {strides = array<i32>} : memref<8x80xf32, #tpu.memory_space<vmem>>, vector<1x16xf32>,
      %swap3A_697 = vector.shape_cast %swap3A_696 : vector<1x16xf32> to vector<16xf32>
      %swap3A_698 = vector.shape_cast %mul3A_692 : vector<16xf32> to vector<1x16xf32>
      tpu.vector_store %arg7[%swap3A_694, %swap3A_695], %swap3A_698 {strides = array<i32>} : memref<8x80xf32, #tpu.memory_space<vmem>>, vector<1x16xf32>,
      "tpu.region"() ({
        %run_scoped3A = tpu.sem_alloc : memref<!tpu.dma_semaphore, #tpu.memory_space<semaphore_mem>>
        %dma_start3A_699 = arith.constant 0 : i32
        %dma_start3A_700 = tpu.memref_slice %arg4[%add3A_14, %dma_start3A_699] : memref<16384x80xf32, #tpu.memory_space<hbm>> -> memref<8x80xf32, #tpu.memory_space<hbm>>
        %dma_start3A_701 = arith.constant 0 : i32
        %dma_start3A_702 = tpu.memref_slice %arg4[%add3A_14, %dma_start3A_701] : memref<16384x80xf32, #tpu.memory_space<hbm>> -> memref<8x80xf32, #tpu.memory_space<hbm>>
        tpu.enqueue_dma source(%arg7 : memref<8x80xf32, #tpu.memory_space<vmem>>) target(%dma_start3A_702 : memref<8x80xf32, #tpu.memory_space<hbm>>) target_semaphore(%run_scoped3A : memref<!tpu.dma_semaphore, #tpu.memory_space<semaphore_mem>>)
        %dma_wait3A_703 = arith.constant 0 : i32
        %dma_wait3A_704 = tpu.memref_slice %arg4[%add3A_14, %dma_wait3A_703] : memref<16384x80xf32, #tpu.memory_space<hbm>> -> memref<8x80xf32, #tpu.memory_space<hbm>>
        %dma_wait3A_705 = arith.constant 0 : i32
        %dma_wait3A_706 = tpu.memref_slice %arg4[%add3A_14, %dma_wait3A_705] : memref<16384x80xf32, #tpu.memory_space<hbm>> -> memref<8x80xf32, #tpu.memory_space<hbm>>
        tpu.wait_dma2 semaphore(%run_scoped3A : memref<!tpu.dma_semaphore, #tpu.memory_space<semaphore_mem>>) src(%arg7 : memref<8x80xf32, #tpu.memory_space<vmem>>) dst(%dma_wait3A_706 : memref<8x80xf32, #tpu.memory_space<hbm>>)
        tpu.yield
      }) : () -> ()
    }
    %scan3A_6 = arith.constant 64 : i32
    return
  }
}

module attributes {stable_mosaic.version = 14 : i64} {
  func.func @_mm_body(%arg0: i32, %arg1: i32, %arg2: memref<1024x80xbf16, #tpu.memory_space<vmem>>, %arg3: memref<80x2048xbf16, #tpu.memory_space<vmem>>, %arg4: memref<1x2048xf32, #tpu.memory_space<vmem>>, %arg5: memref<1024x2048xf32, #tpu.memory_space<vmem>>) attributes {dimension_semantics = [#tpu.dimension_semantics<parallel>, #tpu.dimension_semantics<arbitrary>], iteration_bounds = array<i64: 16, 49>, scalar_prefetch = 0 : i64, scratch_operands = 0 : i64, tpu.core_type = #tpu.core_type<tc>, window_params = [{transform_indices = @transform_0, window_bounds = array<i64: 1024, 80>}, {transform_indices = @transform_1, window_bounds = array<i64: 80, 2048>}, {transform_indices = @transform_2, window_bounds = array<i64: 1, 2048>}, {transform_indices = @transform_3, window_bounds = array<i64: 1024, 2048>}]} {
    %get3A = arith.constant 0 : index
    %get3A_0 = arith.constant 0 : index
    %get3A_1 = vector.load %arg2[%get3A, %get3A_0] : memref<1024x80xbf16, #tpu.memory_space<vmem>>, vector<1024x80xbf16>
    %get3A_2 = arith.constant 0 : index
    %get3A_3 = arith.constant 0 : index
    %get3A_4 = vector.load %arg3[%get3A_2, %get3A_3] : memref<80x2048xbf16, #tpu.memory_space<vmem>>, vector<80x2048xbf16>
    %dot_general3A = arith.constant dense<0.000000e+00> : vector<1024x2048xf32>
    %dot_general3A_5 = tpu.matmul %get3A_1, %get3A_4, %dot_general3A {dimension_numbers = #tpu.dot_dimension_numbers<[1], [0], [0], [1], [0, 0, 1, 1], [], []>, transpose_lhs_hint = false} : vector<1024x80xbf16>, vector<80x2048xbf16>, vector<1024x2048xf32> -> vector<1024x2048xf32>
    %get3A_6 = arith.constant 0 : index
    %get3A_7 = arith.constant 0 : index
    %get3A_8 = vector.load %arg4[%get3A_6, %get3A_7] : memref<1x2048xf32, #tpu.memory_space<vmem>>, vector<1x2048xf32>
    %add3A = vector.broadcast %get3A_8 : vector<1x2048xf32> to vector<1024x2048xf32>
    %add3A_9 = arith.addf %dot_general3A_5, %add3A : vector<1024x2048xf32>
    %swap3A = arith.constant 0 : index
    %swap3A_10 = arith.constant 0 : index
    %swap3A_11 = vector.load %arg5[%swap3A, %swap3A_10] : memref<1024x2048xf32, #tpu.memory_space<vmem>>, vector<1024x2048xf32>
    tpu.vector_store %arg5[%swap3A, %swap3A_10], %add3A_9 {strides = array<i32>} : memref<1024x2048xf32, #tpu.memory_space<vmem>>, vector<1024x2048xf32>,
    return
  }
  func.func @transform_0(%arg0: i32, %arg1: i32) -> (i32, i32) {
    %c0_i32 = arith.constant 0 : i32
    %c0_i32_0 = arith.constant 0 : i32
    return %arg0, %c0_i32 : i32, i32
  }
  func.func @transform_1(%arg0: i32, %arg1: i32) -> (i32, i32) {
    %c0_i32 = arith.constant 0 : i32
    %c0_i32_0 = arith.constant 0 : i32
    return %c0_i32, %arg1 : i32, i32
  }
  func.func @transform_2(%arg0: i32, %arg1: i32) -> (i32, i32) {
    %c0_i32 = arith.constant 0 : i32
    %c0_i32_0 = arith.constant 0 : i32
    return %c0_i32, %arg1 : i32, i32
  }
  func.func @transform_3(%arg0: i32, %arg1: i32) -> (i32, i32) {
    %c0_i32 = arith.constant 0 : i32
    return %arg0, %arg1 : i32, i32
  }
}

</mosaic_0001>

<sc_bundles>
// kernel: kernel.4.cloned.1.call-start
scs
__scs_entry_jumppad:
0x0: {  	(pc) =	sbr.rel $0x88, $3  }
0x1: {  	(tag) =	ssettag $0x0;
	lr =	simm.s32 $0x1  }
0x2: {  	[smem:$0x3F9D] =	sst lr;
	_ =	strace $0xD0000000  }
0x3: {  	_ = 	snop  }
0x4: {  	_ = 	snop  }
0x5: {  	_ = 	snop  }
0x6: {  	_ = 	snop  }
0x7: {  	_ = 	snop  }
__scs_overlays_trampoline_lowered:
0x8: {  	[smem:$0x3FAC] =	sst s0  }
0x9: {  	[smem:$0x3FAD] =	sst s1  }
0xa: {  	[smem:$0x3FAE] =	sst s2  }
0xb: {  	[smem:$0x3FAF] =	sst s3  }
0xc: {  	[smem:$0x3FB0] =	sst s4  }
0xd: {  	[smem:$0x3FB1] =	sst s5  }
0xe: {  	[smem:$0x3FB2] =	sst s6  }
0xf: {  	[smem:$0x3FB3] =	sst s7  }
0x10: {  	[smem:$0x3FB4] =	sst s8  }
0x11: {  	[smem:$0x3FB5] =	sst s9;
	s0 =	simm.s32 @!p0 $0x0  }
0x12: {  	s1 =	sld [smem:$0x3F9B];
	s0 =	simm.s32 @p0 $0x1  }
0x13: {  	[smem:$0x3FB6] =	sst s0;
	s0 =	simm.s32 @!p1 $0x0  }
0x14: {  	s2 =	sld [smem:$0x3F9A];
	s0 =	simm.s32 @p1 $0x1  }
0x15: {  	[smem:$0x3FB7] =	sst s0;
	s0 =	simm.s32 @!p2 $0x0  }
0x16: {  	s3 =	sld [smem:$0x3FDB];
	s0 =	simm.s32 @p2 $0x1  }
0x17: {  	s4 =	simm.s32 $0x1BF5;
	[smem:$0x3FB9] =	sst s0  }
0x18: {  	s0 =	sld [smem:$0x3F9C];
	_ =	swait.ge [sflag:s4], $0x0  }
0x19: {  	s7 =	sld [smem:$0x3F9D]  }
0x1a: {  	s8 =	sadd.s32 $0xFFFFE003, lr  }
0x1b: {  	s9 =	sadd.s32 $0xFFFFFEF7, lr;
	s5 =	simm.s32 $0xFFFFFFFF;
	p2 =	slt.u32 s8, $0xFFFFF086  }
0x1c: {  	p1 =	slt.u32 s9, $0xF7A;
	s5 =	simm.s32 @!p2 $0x0  }
0x1d: {  	s5 =	simm.s32 @p1 $0x1;
	p0 =	seq.s32 s7, s2  }
0x1e: {  	s7 =	smul.u32 @!p0 $0xF7A, s2;
	p2 =	seq.s32 @!p0 s5, $0x0  }
0x1f: {  	s9 =	smul.u32 $0xF7A, s1;
	s8 =	simm.s32 @!p0 $0x1BF5;
	p2 =	por !p2, p0  }
0x20: {  	[sflag:s8] =	ssyncset.s32 @!p0 $0xFFFFF086;
	s6 =	sadd.s32 @!p0 s3, s7;
	s7 =	simm.s32 @!p0 $0x108  }
0x21: {  	s3 =	sadd.s32 s3, s9;
	s6 =	sadd.s32 @!p0 $0x88, s6;
	s7 =	simm.s32 @p2 $0x1082  }
0x22: {  	[simem:s7], [sflag:s8] =	dma.local @!p0 [hbm:s6], $0xF7A  }
0x23: {  	s9 =	sor.u32 $0xD0000000, s2;
	s6 =	simm.s32 $0x108;
	_ =	swait.ge @!p0 [sflag:s8], $0x0  }
0x24: {  	s3 =	sadd.s32 $0x88, s3;
	s6 =	simm.s32 @!p1 $0x1082;
	[sflag:s4] =	ssyncset.s32 $0xFFFFF086  }
0x25: {  	[simem:s6], [sflag:s4] =	dma.local [hbm:s3], $0xF7A  }
0x26: {  	[smem:$0x3F9D] =	sst s1;
	(tag) =	ssettag s2;
	_ =	strace s9  }
0x27: {  	s1 =	sld [smem:$0x3FAD]  }
0x28: {  	s2 =	sld [smem:$0x3FAE]  }
0x29: {  	s4 =	sld [smem:$0x3FB0]  }
0x2a: {  	p0 =	seq.s32 s5, $0x0;
	s5 =	sld [smem:$0x3FB1]  }
0x2b: {  	s6 =	sld [smem:$0x3FB2]  }
0x2c: {  	s7 =	sld [smem:$0x3FB3]  }
0x2d: {  	s3 =	simm.s32 $0x108;
	s8 =	sld [smem:$0x3FB4]  }
0x2e: {  	s3 =	simm.s32 @!p0 $0x1082;
	s9 =	sld [smem:$0x3FB5]  }
0x2f: {  	lr =	sadd.s32 s0, s3;
	s0 =	sld [smem:$0x3FAC]  }
0x30: {  	s3 =	sld [smem:$0x3FAF]  }
0x31: {  	[smem:$0x3FB8] =	sst s10  }
0x32: {  	s10 =	sld [smem:$0x3FB6];
	_ =	sdelay $0x3  }
0x33: {  	p0 =	seq.s32 s10, $0x1;
	s10 =	sld [smem:$0x3FB8];
	_ =	sdelay $0x3  }
0x34: {  	[smem:$0x3FB8] =	sst s10  }
0x35: {  	s10 =	sld [smem:$0x3FB7];
	_ =	sdelay $0x3  }
0x36: {  	p1 =	seq.s32 s10, $0x1;
	s10 =	sld [smem:$0x3FB8];
	_ =	sdelay $0x3  }
0x37: {  	[smem:$0x3FB8] =	sst s10  }
0x38: {  	s10 =	sld [smem:$0x3FB9]  }
0x39: {  	_ = 	snop;
	(pc) =	sbr.ind lr, $3  }
0x3a: {  	_ = 	snop  }
0x3b: {  	_ = 	snop  }
0x3c: {  	p2 =	seq.s32 s10, $0x1;
	s10 =	sld [smem:$0x3FB8]  }
0x3d: {  	_ =	shalt  }
0x3e: {  	_ =	shalt  }
0x3f: {  	_ =	shalt  }
0x40: {  	_ =	shalt  }
0x41: {  	_ =	shalt  }
0x42: {  	_ =	shalt  }
0x43: {  	_ =	shalt  }
0x44: {  	_ =	shalt  }
0x45: {  	_ =	shalt  }
0x46: {  	_ =	shalt  }
0x47: {  	_ =	shalt  }
0x48: {  	_ =	shalt  }
0x49: {  	_ =	shalt  }
0x4a: {  	_ =	shalt  }
0x4b: {  	_ =	shalt  }
0x4c: {  	_ =	shalt  }
0x4d: {  	_ =	shalt  }
0x4e: {  	_ =	shalt  }
0x4f: {  	_ =	shalt  }
0x50: {  	_ =	shalt  }
0x51: {  	_ =	shalt  }
0x52: {  	_ =	shalt  }
0x53: {  	_ =	shalt  }
0x54: {  	_ =	shalt  }
0x55: {  	_ =	shalt  }
0x56: {  	_ =	shalt  }
0x57: {  	_ =	shalt  }
0x58: {  	_ =	shalt  }
0x59: {  	_ =	shalt  }
0x5a: {  	_ =	shalt  }
0x5b: {  	_ =	shalt  }
0x5c: {  	_ =	shalt  }
0x5d: {  	_ =	shalt  }
0x5e: {  	_ =	shalt  }
0x5f: {  	_ =	shalt  }
0x60: {  	_ =	shalt  }
0x61: {  	_ =	shalt  }
0x62: {  	_ =	shalt  }
0x63: {  	_ =	shalt  }
0x64: {  	_ =	shalt  }
0x65: {  	_ =	shalt  }
0x66: {  	_ =	shalt  }
0x67: {  	_ =	shalt  }
0x68: {  	_ =	shalt  }
0x69: {  	_ =	shalt  }
0x6a: {  	_ =	shalt  }
0x6b: {  	_ =	shalt  }
0x6c: {  	_ =	shalt  }
0x6d: {  	_ =	shalt  }
0x6e: {  	_ =	shalt  }
0x6f: {  	_ =	shalt  }
0x70: {  	_ =	shalt  }
0x71: {  	_ =	shalt  }
0x72: {  	_ =	shalt  }
0x73: {  	_ =	shalt  }
0x74: {  	_ =	shalt  }
0x75: {  	_ =	shalt  }
0x76: {  	_ =	shalt  }
0x77: {  	_ =	shalt  }
0x78: {  	_ =	shalt  }
0x79: {  	_ =	shalt  }
0x7a: {  	_ =	shalt  }
0x7b: {  	_ =	shalt  }
0x7c: {  	_ =	shalt  }
0x7d: {  	_ =	shalt  }
0x7e: {  	_ =	shalt  }
0x7f: {  	_ =	shalt  }
0x80: {  	_ =	shalt  }
0x81: {  	_ =	shalt  }
0x82: {  	_ =	shalt  }
0x83: {  	_ =	shalt  }
0x84: {  	_ =	shalt  }
0x85: {  	_ =	shalt  }
0x86: {  	_ =	shalt  }
0x87: {  	_ =	shalt  }
.Lfunc_end0:
.L_simem_size_0:
called_computation_lowered:
.L_overlay_start_0:
0x88: {  	s2 =	sld [smem:$0x3FD9]  }
0x89: {  	s3 =	sld [smem:$0x3FFE];
	_ =	sdelay $0x1  }
0x8a: {  	s1 =	srdreg.scid  }
0x8b: {  	s0 =	sand.u32 $0x1, s1  }
0x8c: {  	s17 =	sshll.u32 s0, $0xA;
	s2 =	sadd.s32 s3, s2  }
0x8d: {  	s2 =	sadd.s32 s2, s17  }
0x8e: {  	[smem:$0x3FC4] =	sst s2  }
0x8f: {  	_ = 	snop  }
0x90: {  	s2 =	sld [smem:$0x3FD0];
	(tm) =	ssettm $0x1  }
0x91: {  	s18 =	sld [smem:$0x3FFB];
	_ =	sdelay $0x3  }
0x92: {  	_ =	strace s18  }
0x93: {  	s3 =	sld [smem:$0x3FFC];
	_ =	sdelay $0x3  }
0x94: {  	_ =	strace s3  }
0x95: {  	s3 =	sld [smem:$0x3FFD];
	_ =	sdelay $0x3  }
0x96: {  	_ =	strace s3  }
0x97: {  	_ =	strace $0x8FFFFFFF  }
0x98: {  	s19 =	sld [smem:$0x3FDB];
	_ =	sdelay $0x1  }
0x99: {  	s4 =	simm.s32 $_scs_section_size  }
0x9a: {  	s5 =	simm.s32 $_size__tile_overlayer_lowered;
	s6 =	simm.s32 $_tile_overlayer_lowered  }
0x9b: {  	s22 =	simm.s32 $0x1BFF;
	s21 =	sshll.u32 s6, $0x1;
	s3 =	sadd.s32 s4, s19  }
0x9c: {  	s7 =	simm.s32 $0x0;
	s20 =	sshll.u32 s5, $0x1;
	s5 =	sadd.s32 s21, s3  }
0x9d: {  	[timem:s7], [sflag:s22] =	dma.local [hbm:s5], s20  }
0x9e: {  	_ =	swait.ge [sflag:s22], s20  }
0x9f: {  	s4 =	ssub.s32 $0x0, s20;
	[sflag:s22] =	ssyncset.done $0x0  }
0xa0: {  	[sflag:s22] =	ssyncadd.s32 s4;
	_ =	sdelay $0x1  }
0xa1: {  	s23 =	simm.s32 $0x1B8B  }
0xa2: {  	_ =	swait.ge [sflag:s23], $0x1  }
0xa3: {  	[sflag:s23] =	ssyncset.done $0x0  }
0xa4: {  	s25 =	simm.s32 $0x1B8E;
	s24 =	sld [smem:$0x3FFE];
	[sflag:s23] =	ssyncadd.s32 $0xFFFFFFFF  }
0xa5: {  	s26 =	simm.s32 $execute0_lowered;
	[smem:$0x3FD2] =	sst s25  }
0xa6: {  	s5 =	sshll.u32 s26, $0x1;
	_ =	strace $0x80000046;
	[dreg:$0x1] =	wrdreg $0xFFFFFFFF  }
0xa7: {  	s28 =	simm.s32 $_size_execute0_lowered;
	s3 =	sadd.s32 s3, s5;
	[dreg:$0x0] =	wrdreg $0x0  }
0xa8: {  	s5 =	sshll.u32 s28, $0x1;
	[dreg:$0x2] =	wrdreg s3  }
0xa9: {  	[dreg:$0x3] =	wrdreg s5  }
0xaa: {  	[dreg:$0x4] =	wrdreg $0xC0  }
0xab: {  	_ =	task [dreg:s7], $0x5FFFF  }
0xac: {  	[dreg:$0x1] =	wrdreg $0xFFFFFFFF  }
0xad: {  	[dreg:$0x0] =	wrdreg $0x60  }
0xae: {  	[dreg:$0x2] =	wrdreg s2  }
0xaf: {  	[dreg:$0x3] =	wrdreg s24  }
0xb0: {  	[dreg:$0x4] =	wrdreg $0x9  }
0xb1: {  	_ =	task.clear_ibuf [dreg:s7], $0x5FFFF;
	_ =	strace $0x90000046  }
0xb2: {  	s29 =	simm.s32 $0x9;
	_ =	strace $0x80000048  }
0xb3: {  	_ =	swait.ge [sflag:s29], $0x1  }
0xb4: {  	[sflag:s29] =	ssyncadd.s32 $0xFFFFFFFF  }
0xb5: {  	_ =	strace $0x90000048  }
0xb6: {  	_ =	sfence  }
0xb7: {  	s30 =	sld [smem:$0x0];
	_ =	sdelay $0x2  }
0xb8: {  	s31 =	sshll.u32 s1, $0xD;
	s1 =	sshrl.u32 s1, $0x2  }
0xb9: {  	s3 =	sand.u32 $0x4000, s31;
	s1 =	sadd.s32 s1, s30  }
0xba: {  	s0 =	sor.u32 s3, s0;
	s1 =	sshll.u32 s1, $0x11  }
0xbb: {  	s0 =	sor.u32 s1, s0  }
0xbc: {  	s0 =	sadd.s32 $0x8F2B, s0  }
0xbd: {  	[sflag:s0] =	ssyncadd.remote.s32 $0x1  }
0xbe: {  	_ =	sfence.sel $0xFFFF  }
0xbf: {  	[dreg:$0x0] =	wrdreg $0xFFFFFFFF;
	(pc) =	sbr.abs _section_cstart, $3  }
0xc0: {  	[dreg:$0x1] =	wrdreg $0xFFFFFFFF  }
0xc1: {  	_ =	task.clear_ibuf [dreg:s7], $0x2FFFF;
	_ =	strace $0x9FFFFFFF  }
0xc2: {  	(tm) =	ssettm $0x7FFFFFFF  }
0xc3: {  	_ =	shalt  }
tec
execute0_lowered:
.L_overlay_start_1:
0x0: {  	(tag) =	ssettag $0x1  }
0x1: {  	s1 =	rddreg [dreg:$0x0]  }
0x2: {  	s5 =	rddreg [dreg:$0x1]  }
0x3: {  	s0 =	rddreg [dreg:$0x2];
	s2 =	simm.s32 $0x0;
	s3 =	srdreg.scid  }
0x4: {  	s10 =	simm.s32 $0x1;
	s11 =	simm.s32 $0x7E90;
	s12 =	simm.s32 $0x0  }
0x5: {  	[smem:$0x7FF] =	sst s2;
	s6 =	sand.u32 $0x1, s3;
	s4 =	sadd.s32 $0x600, s5  }
0x6: {  	s3 =	stileid.u32;
	s5 =	sadd.s32 $0x19600, s5;
	s7 =	ssub.s32 $0x2, s6  }
0x7: {  	s9 =	sshll.u32 s3, $0xA;
	s6 =	sshll.u32 s6, $0x9;
	s8 =	sshrl.u32 s7, $0x1  }
0x8: {  	_ =	strace $0x80000047;
	s6 =	sor.u32 s6, s9;
	s7 =	ssub.s32 s7, s8  }
0x9: {  	s9 =	simm.s32 $0x190;
	s8 =	simm.s32 $0x2;
	s7 =	smax.u32 s7, $0x1  }
.LBB2_1:
0xa: {  	s13 =	simm.s32 $0x0  }
.LBB2_2:
0xb: {  	s14 =	sshll.u32 s13, $0x3  }
0xc: {  	s14 =	sadd.s32 s6, s14  }
0xd: {  	s15 =	smul.u32 $0x32, s14;
	_ =	sdelay $0x1  }
0xe: {  	s15 =	sshrl.u32 s15, $0x3  }
0xf: {  	s16 =	simm.s32 $0x0;
	s15 =	sadd.s32 s4, s15  }
0x10: {  	[tilespmem:s16], [sflag:$0x2] =	stream.linear.gather [hbm4b:s15+s16], $0x190, $0x38;
	[tilespmem:$0x8110] =	vst v63  }
0x11: {  	_ =	swait.ge [sflag:s8], $0x190  }
0x12: {  	[sflag:s8] =	ssyncset.done $0x0  }
0x13: {  	[sflag:s8] =	ssyncadd.s32 $0xFFFFFE70  }
0x14: {  	[tilespmem:s9], [sflag:$0x1] =	stream.indirect.gather [hbm4b:s1+s9], $0x50, s16, s9, $0xb8;
	[tilespmem:$0x8110] =	vst v63  }
0x15: {  	_ =	swait.ge [sflag:s10], $0x7D00  }
0x16: {  	[sflag:s10] =	ssyncset.done $0x0  }
0x17: {  	s31 =	simm.s32 $0x0;
	[sflag:s10] =	ssyncadd.s32 $0xFFFF8300  }
0x18: {  	v0 =	vimm.f32 $0.0e+00;
	s15 =	simm.s32 $0x140;
	v1 =	vld [tilespmem:s31+$0x190]  }
.LBB2_3:
0x19: {  	p0 =	sne.s32 s15, $0x3D40  }
.Ltmp0:
0x1a: {  	_ = 	snop;
	(pc) =	sbr.rel @p0 .LBB2_3-.Ltmp0, $3  }
0x1b: {  	_ =	sdelay $0x1  }
0x1c: {  	s16 =	sshra.s32 s15, $0x2;
	s15 =	sadd.s32 $0x140, s15;
	v0 =	vadd.f32 v1, v0  }
0x1d: {  	v1 =	vld [tilespmem:s16+$0x190]  }
0x1e: {  	_ =	sdelay $0x3  }
0x1f: {  	v0 =	vadd.f32 v1, v0;
	_ =	sdelay $0x1  }
0x20: {  	v0 =	vmul.f32 $1.999999960e-02, v0;
	_ =	sdelay $0x1  }
0x21: {  	s16 =	simm.s32 $0x10;
	[tilespmem:$0x7E90] =	vst v0  }
0x22: {  	s15 =	simm.s32 $0x180;
	v0 =	vimm.f32 $0.0e+00;
	v1 =	vld [tilespmem:s16+$0x190]  }
.LBB2_5:
0x23: {  	p0 =	sne.s32 s15, $0x3D80  }
.Ltmp1:
0x24: {  	_ = 	snop;
	(pc) =	sbr.rel @p0 .LBB2_5-.Ltmp1, $3  }
0x25: {  	_ =	sdelay $0x1  }
0x26: {  	s16 =	sshra.s32 s15, $0x2;
	s15 =	sadd.s32 $0x140, s15;
	v0 =	vadd.f32 v1, v0  }
0x27: {  	v1 =	vld [tilespmem:s16+$0x190]  }
0x28: {  	_ =	sdelay $0x3  }
0x29: {  	v0 =	vadd.f32 v1, v0;
	_ =	sdelay $0x1  }
0x2a: {  	v0 =	vmul.f32 $1.999999960e-02, v0;
	_ =	sdelay $0x1  }
0x2b: {  	s16 =	simm.s32 $0x20;
	[tilespmem:$0x7EA0] =	vst v0  }
0x2c: {  	s15 =	simm.s32 $0x1C0;
	v0 =	vimm.f32 $0.0e+00;
	v1 =	vld [tilespmem:s16+$0x190]  }
.LBB2_7:
0x2d: {  	p0 =	sne.s32 s15, $0x3DC0  }
.Ltmp2:
0x2e: {  	_ = 	snop;
	(pc) =	sbr.rel @p0 .LBB2_7-.Ltmp2, $3  }
0x2f: {  	_ =	sdelay $0x1  }
0x30: {  	s16 =	sshra.s32 s15, $0x2;
	s15 =	sadd.s32 $0x140, s15;
	v0 =	vadd.f32 v1, v0  }
0x31: {  	v1 =	vld [tilespmem:s16+$0x190]  }
0x32: {  	_ =	sdelay $0x3  }
0x33: {  	v0 =	vadd.f32 v1, v0;
	_ =	sdelay $0x1  }
0x34: {  	v0 =	vmul.f32 $1.999999960e-02, v0;
	_ =	sdelay $0x1  }
0x35: {  	s16 =	simm.s32 $0x30;
	[tilespmem:$0x7EB0] =	vst v0  }
0x36: {  	s15 =	simm.s32 $0x200;
	v0 =	vimm.f32 $0.0e+00;
	v1 =	vld [tilespmem:s16+$0x190]  }
.LBB2_9:
0x37: {  	p0 =	sne.s32 s15, $0x3E00  }
.Ltmp3:
0x38: {  	_ = 	snop;
	(pc) =	sbr.rel @p0 .LBB2_9-.Ltmp3, $3  }
0x39: {  	_ =	sdelay $0x1  }
0x3a: {  	s16 =	sshra.s32 s15, $0x2;
	s15 =	sadd.s32 $0x140, s15;
	v0 =	vadd.f32 v1, v0  }
0x3b: {  	v1 =	vld [tilespmem:s16+$0x190]  }
0x3c: {  	_ =	sdelay $0x3  }
0x3d: {  	v0 =	vadd.f32 v1, v0;
	_ =	sdelay $0x1  }
0x3e: {  	v0 =	vmul.f32 $1.999999960e-02, v0;
	_ =	sdelay $0x1  }
0x3f: {  	s16 =	simm.s32 $0x40;
	[tilespmem:$0x7EC0] =	vst v0  }
0x40: {  	s15 =	simm.s32 $0x240;
	v0 =	vimm.f32 $0.0e+00;
	v1 =	vld [tilespmem:s16+$0x190]  }
.LBB2_11:
0x41: {  	p0 =	sne.s32 s15, $0x3E40  }
.Ltmp4:
0x42: {  	_ = 	snop;
	(pc) =	sbr.rel @p0 .LBB2_11-.Ltmp4, $3  }
0x43: {  	_ =	sdelay $0x1  }
0x44: {  	s16 =	sshra.s32 s15, $0x2;
	s15 =	sadd.s32 $0x140, s15;
	v0 =	vadd.f32 v1, v0  }
0x45: {  	v1 =	vld [tilespmem:s16+$0x190]  }
0x46: {  	_ =	sdelay $0x3  }
0x47: {  	v0 =	vadd.f32 v1, v0;
	_ =	sdelay $0x1  }
0x48: {  	v0 =	vmul.f32 $1.999999960e-02, v0;
	_ =	sdelay $0x1  }
0x49: {  	s16 =	simm.s32 $0x0;
	[tilespmem:$0x7ED0] =	vst v0  }
0x4a: {  	s15 =	simm.s32 $0x140;
	v0 =	vimm.f32 $0.0e+00;
	v1 =	vld [tilespmem:s16+$0x1130]  }
.LBB2_13:
0x4b: {  	p0 =	sne.s32 s15, $0x3D40  }
.Ltmp5:
0x4c: {  	_ = 	snop;
	(pc) =	sbr.rel @p0 .LBB2_13-.Ltmp5, $3  }
0x4d: {  	_ =	sdelay $0x1  }
0x4e: {  	s16 =	sshra.s32 s15, $0x2;
	s15 =	sadd.s32 $0x140, s15;
	v0 =	vadd.f32 v1, v0  }
0x4f: {  	v1 =	vld [tilespmem:s16+$0x1130]  }
0x50: {  	_ =	sdelay $0x3  }
0x51: {  	v0 =	vadd.f32 v1, v0;
	_ =	sdelay $0x1  }
0x52: {  	v0 =	vmul.f32 $1.999999960e-02, v0;
	_ =	sdelay $0x1  }
0x53: {  	s16 =	simm.s32 $0x0;
	[tilespmem:$0x7EE0] =	vst v0  }
0x54: {  	s15 =	simm.s32 $0x140;
	v0 =	vimm.f32 $0.0e+00;
	v1 =	vld [tilespmem:s16+$0x1140]  }
.LBB2_15:
0x55: {  	p0 =	sne.s32 s15, $0x3D40  }
.Ltmp6:
0x56: {  	_ = 	snop;
	(pc) =	sbr.rel @p0 .LBB2_15-.Ltmp6, $3  }
0x57: {  	_ =	sdelay $0x1  }
0x58: {  	s16 =	sshra.s32 s15, $0x2;
	s15 =	sadd.s32 $0x140, s15;
	v0 =	vadd.f32 v1, v0  }
0x59: {  	v1 =	vld [tilespmem:s16+$0x1140]  }
0x5a: {  	_ =	sdelay $0x3  }
0x5b: {  	v0 =	vadd.f32 v1, v0;
	_ =	sdelay $0x1  }
0x5c: {  	v0 =	vmul.f32 $1.999999960e-02, v0;
	_ =	sdelay $0x1  }
0x5d: {  	s16 =	simm.s32 $0x0;
	[tilespmem:$0x7EF0] =	vst v0  }
0x5e: {  	s15 =	simm.s32 $0x140;
	v0 =	vimm.f32 $0.0e+00;
	v1 =	vld [tilespmem:s16+$0x1150]  }
.LBB2_17:
0x5f: {  	p0 =	sne.s32 s15, $0x3D40  }
.Ltmp7:
0x60: {  	_ = 	snop;
	(pc) =	sbr.rel @p0 .LBB2_17-.Ltmp7, $3  }
0x61: {  	_ =	sdelay $0x1  }
0x62: {  	s16 =	sshra.s32 s15, $0x2;
	s15 =	sadd.s32 $0x140, s15;
	v0 =	vadd.f32 v1, v0  }
0x63: {  	v1 =	vld [tilespmem:s16+$0x1150]  }
0x64: {  	_ =	sdelay $0x3  }
0x65: {  	v0 =	vadd.f32 v1, v0;
	_ =	sdelay $0x1  }
0x66: {  	v0 =	vmul.f32 $1.999999960e-02, v0;
	_ =	sdelay $0x1  }
0x67: {  	s16 =	simm.s32 $0x0;
	[tilespmem:$0x7F00] =	vst v0  }
0x68: {  	s15 =	simm.s32 $0x140;
	v0 =	vimm.f32 $0.0e+00;
	v1 =	vld [tilespmem:s16+$0x1160]  }
.LBB2_19:
0x69: {  	p0 =	sne.s32 s15, $0x3D40  }
.Ltmp8:
0x6a: {  	_ = 	snop;
	(pc) =	sbr.rel @p0 .LBB2_19-.Ltmp8, $3  }
0x6b: {  	_ =	sdelay $0x1  }
0x6c: {  	s16 =	sshra.s32 s15, $0x2;
	s15 =	sadd.s32 $0x140, s15;
	v0 =	vadd.f32 v1, v0  }
0x6d: {  	v1 =	vld [tilespmem:s16+$0x1160]  }
0x6e: {  	_ =	sdelay $0x3  }
0x6f: {  	v0 =	vadd.f32 v1, v0;
	_ =	sdelay $0x1  }
0x70: {  	v0 =	vmul.f32 $1.999999960e-02, v0;
	_ =	sdelay $0x1  }
0x71: {  	s16 =	simm.s32 $0x0;
	[tilespmem:$0x7F10] =	vst v0  }
0x72: {  	s15 =	simm.s32 $0x140;
	v0 =	vimm.f32 $0.0e+00;
	v1 =	vld [tilespmem:s16+$0x1170]  }
.LBB2_21:
0x73: {  	p0 =	sne.s32 s15, $0x3D40  }
.Ltmp9:
0x74: {  	_ = 	snop;
	(pc) =	sbr.rel @p0 .LBB2_21-.Ltmp9, $3  }
0x75: {  	_ =	sdelay $0x1  }
0x76: {  	s16 =	sshra.s32 s15, $0x2;
	s15 =	sadd.s32 $0x140, s15;
	v0 =	vadd.f32 v1, v0  }
0x77: {  	v1 =	vld [tilespmem:s16+$0x1170]  }
0x78: {  	_ =	sdelay $0x3  }
0x79: {  	v0 =	vadd.f32 v1, v0;
	_ =	sdelay $0x1  }
0x7a: {  	v0 =	vmul.f32 $1.999999960e-02, v0;
	_ =	sdelay $0x1  }
0x7b: {  	s16 =	simm.s32 $0x0;
	[tilespmem:$0x7F20] =	vst v0  }
0x7c: {  	s15 =	simm.s32 $0x140;
	v0 =	vimm.f32 $0.0e+00;
	v1 =	vld [tilespmem:s16+$0x20D0]  }
.LBB2_23:
0x7d: {  	p0 =	sne.s32 s15, $0x3D40  }
.Ltmp10:
0x7e: {  	_ = 	snop;
	(pc) =	sbr.rel @p0 .LBB2_23-.Ltmp10, $3  }
0x7f: {  	_ =	sdelay $0x1  }
0x80: {  	s16 =	sshra.s32 s15, $0x2;
	s15 =	sadd.s32 $0x140, s15;
	v0 =	vadd.f32 v1, v0  }
0x81: {  	v1 =	vld [tilespmem:s16+$0x20D0]  }
0x82: {  	_ =	sdelay $0x3  }
0x83: {  	v0 =	vadd.f32 v1, v0;
	_ =	sdelay $0x1  }
0x84: {  	v0 =	vmul.f32 $1.999999960e-02, v0;
	_ =	sdelay $0x1  }
0x85: {  	s16 =	simm.s32 $0x0;
	[tilespmem:$0x7F30] =	vst v0  }
0x86: {  	s15 =	simm.s32 $0x140;
	v0 =	vimm.f32 $0.0e+00;
	v1 =	vld [tilespmem:s16+$0x20E0]  }
.LBB2_25:
0x87: {  	p0 =	sne.s32 s15, $0x3D40  }
.Ltmp11:
0x88: {  	_ = 	snop;
	(pc) =	sbr.rel @p0 .LBB2_25-.Ltmp11, $3  }
0x89: {  	_ =	sdelay $0x1  }
0x8a: {  	s16 =	sshra.s32 s15, $0x2;
	s15 =	sadd.s32 $0x140, s15;
	v0 =	vadd.f32 v1, v0  }
0x8b: {  	v1 =	vld [tilespmem:s16+$0x20E0]  }
0x8c: {  	_ =	sdelay $0x3  }
0x8d: {  	v0 =	vadd.f32 v1, v0;
	_ =	sdelay $0x1  }
0x8e: {  	v0 =	vmul.f32 $1.999999960e-02, v0;
	_ =	sdelay $0x1  }
0x8f: {  	s16 =	simm.s32 $0x0;
	[tilespmem:$0x7F40] =	vst v0  }
0x90: {  	s15 =	simm.s32 $0x140;
	v0 =	vimm.f32 $0.0e+00;
	v1 =	vld [tilespmem:s16+$0x20F0]  }
.LBB2_27:
0x91: {  	p0 =	sne.s32 s15, $0x3D40  }
.Ltmp12:
0x92: {  	_ = 	snop;
	(pc) =	sbr.rel @p0 .LBB2_27-.Ltmp12, $3  }
0x93: {  	_ =	sdelay $0x1  }
0x94: {  	s16 =	sshra.s32 s15, $0x2;
	s15 =	sadd.s32 $0x140, s15;
	v0 =	vadd.f32 v1, v0  }
0x95: {  	v1 =	vld [tilespmem:s16+$0x20F0]  }
0x96: {  	_ =	sdelay $0x3  }
0x97: {  	v0 =	vadd.f32 v1, v0;
	_ =	sdelay $0x1  }
0x98: {  	v0 =	vmul.f32 $1.999999960e-02, v0;
	_ =	sdelay $0x1  }
0x99: {  	s16 =	simm.s32 $0x0;
	[tilespmem:$0x7F50] =	vst v0  }
0x9a: {  	s15 =	simm.s32 $0x140;
	v0 =	vimm.f32 $0.0e+00;
	v1 =	vld [tilespmem:s16+$0x2100]  }
.LBB2_29:
0x9b: {  	p0 =	sne.s32 s15, $0x3D40  }
.Ltmp13:
0x9c: {  	_ = 	snop;
	(pc) =	sbr.rel @p0 .LBB2_29-.Ltmp13, $3  }
0x9d: {  	_ =	sdelay $0x1  }
0x9e: {  	s16 =	sshra.s32 s15, $0x2;
	s15 =	sadd.s32 $0x140, s15;
	v0 =	vadd.f32 v1, v0  }
0x9f: {  	v1 =	vld [tilespmem:s16+$0x2100]  }
0xa0: {  	_ =	sdelay $0x3  }
0xa1: {  	v0 =	vadd.f32 v1, v0;
	_ =	sdelay $0x1  }
0xa2: {  	v0 =	vmul.f32 $1.999999960e-02, v0;
	_ =	sdelay $0x1  }
0xa3: {  	s16 =	simm.s32 $0x0;
	[tilespmem:$0x7F60] =	vst v0  }
0xa4: {  	s15 =	simm.s32 $0x140;
	v0 =	vimm.f32 $0.0e+00;
	v1 =	vld [tilespmem:s16+$0x2110]  }
.LBB2_31:
0xa5: {  	p0 =	sne.s32 s15, $0x3D40  }
.Ltmp14:
0xa6: {  	_ = 	snop;
	(pc) =	sbr.rel @p0 .LBB2_31-.Ltmp14, $3  }
0xa7: {  	_ =	sdelay $0x1  }
0xa8: {  	s16 =	sshra.s32 s15, $0x2;
	s15 =	sadd.s32 $0x140, s15;
	v0 =	vadd.f32 v1, v0  }
0xa9: {  	v1 =	vld [tilespmem:s16+$0x2110]  }
0xaa: {  	_ =	sdelay $0x3  }
0xab: {  	v0 =	vadd.f32 v1, v0;
	_ =	sdelay $0x1  }
0xac: {  	v0 =	vmul.f32 $1.999999960e-02, v0;
	_ =	sdelay $0x1  }
0xad: {  	s16 =	simm.s32 $0x0;
	[tilespmem:$0x7F70] =	vst v0  }
0xae: {  	s15 =	simm.s32 $0x140;
	v0 =	vimm.f32 $0.0e+00;
	v1 =	vld [tilespmem:s16+$0x3070]  }
.LBB2_33:
0xaf: {  	p0 =	sne.s32 s15, $0x3D40  }
.Ltmp15:
0xb0: {  	_ = 	snop;
	(pc) =	sbr.rel @p0 .LBB2_33-.Ltmp15, $3  }
0xb1: {  	_ =	sdelay $0x1  }
0xb2: {  	s16 =	sshra.s32 s15, $0x2;
	s15 =	sadd.s32 $0x140, s15;
	v0 =	vadd.f32 v1, v0  }
0xb3: {  	v1 =	vld [tilespmem:s16+$0x3070]  }
0xb4: {  	_ =	sdelay $0x3  }
0xb5: {  	v0 =	vadd.f32 v1, v0;
	_ =	sdelay $0x1  }
0xb6: {  	v0 =	vmul.f32 $1.999999960e-02, v0;
	_ =	sdelay $0x1  }
0xb7: {  	s16 =	simm.s32 $0x0;
	[tilespmem:$0x7F80] =	vst v0  }
0xb8: {  	s15 =	simm.s32 $0x140;
	v0 =	vimm.f32 $0.0e+00;
	v1 =	vld [tilespmem:s16+$0x3080]  }
.LBB2_35:
0xb9: {  	p0 =	sne.s32 s15, $0x3D40  }
.Ltmp16:
0xba: {  	_ = 	snop;
	(pc) =	sbr.rel @p0 .LBB2_35-.Ltmp16, $3  }
0xbb: {  	_ =	sdelay $0x1  }
0xbc: {  	s16 =	sshra.s32 s15, $0x2;
	s15 =	sadd.s32 $0x140, s15;
	v0 =	vadd.f32 v1, v0  }
0xbd: {  	v1 =	vld [tilespmem:s16+$0x3080]  }
0xbe: {  	_ =	sdelay $0x3  }
0xbf: {  	v0 =	vadd.f32 v1, v0;
	_ =	sdelay $0x1  }
0xc0: {  	v0 =	vmul.f32 $1.999999960e-02, v0;
	_ =	sdelay $0x1  }
0xc1: {  	s16 =	simm.s32 $0x0;
	[tilespmem:$0x7F90] =	vst v0  }
0xc2: {  	s15 =	simm.s32 $0x140;
	v0 =	vimm.f32 $0.0e+00;
	v1 =	vld [tilespmem:s16+$0x3090]  }
.LBB2_37:
0xc3: {  	p0 =	sne.s32 s15, $0x3D40  }
.Ltmp17:
0xc4: {  	_ = 	snop;
	(pc) =	sbr.rel @p0 .LBB2_37-.Ltmp17, $3  }
0xc5: {  	_ =	sdelay $0x1  }
0xc6: {  	s16 =	sshra.s32 s15, $0x2;
	s15 =	sadd.s32 $0x140, s15;
	v0 =	vadd.f32 v1, v0  }
0xc7: {  	v1 =	vld [tilespmem:s16+$0x3090]  }
0xc8: {  	_ =	sdelay $0x3  }
0xc9: {  	v0 =	vadd.f32 v1, v0;
	_ =	sdelay $0x1  }
0xca: {  	v0 =	vmul.f32 $1.999999960e-02, v0;
	_ =	sdelay $0x1  }
0xcb: {  	s16 =	simm.s32 $0x0;
	[tilespmem:$0x7FA0] =	vst v0  }
0xcc: {  	s15 =	simm.s32 $0x140;
	v0 =	vimm.f32 $0.0e+00;
	v1 =	vld [tilespmem:s16+$0x30A0]  }
.LBB2_39:
0xcd: {  	p0 =	sne.s32 s15, $0x3D40  }
.Ltmp18:
0xce: {  	_ = 	snop;
	(pc) =	sbr.rel @p0 .LBB2_39-.Ltmp18, $3  }
0xcf: {  	_ =	sdelay $0x1  }
0xd0: {  	s16 =	sshra.s32 s15, $0x2;
	s15 =	sadd.s32 $0x140, s15;
	v0 =	vadd.f32 v1, v0  }
0xd1: {  	v1 =	vld [tilespmem:s16+$0x30A0]  }
0xd2: {  	_ =	sdelay $0x3  }
0xd3: {  	v0 =	vadd.f32 v1, v0;
	_ =	sdelay $0x1  }
0xd4: {  	v0 =	vmul.f32 $1.999999960e-02, v0;
	_ =	sdelay $0x1  }
0xd5: {  	s16 =	simm.s32 $0x0;
	[tilespmem:$0x7FB0] =	vst v0  }
0xd6: {  	s15 =	simm.s32 $0x140;
	v0 =	vimm.f32 $0.0e+00;
	v1 =	vld [tilespmem:s16+$0x30B0]  }
.LBB2_41:
0xd7: {  	p0 =	sne.s32 s15, $0x3D40  }
.Ltmp19:
0xd8: {  	_ = 	snop;
	(pc) =	sbr.rel @p0 .LBB2_41-.Ltmp19, $3  }
0xd9: {  	_ =	sdelay $0x1  }
0xda: {  	s16 =	sshra.s32 s15, $0x2;
	s15 =	sadd.s32 $0x140, s15;
	v0 =	vadd.f32 v1, v0  }
0xdb: {  	v1 =	vld [tilespmem:s16+$0x30B0]  }
0xdc: {  	_ =	sdelay $0x3  }
0xdd: {  	v0 =	vadd.f32 v1, v0;
	_ =	sdelay $0x1  }
0xde: {  	v0 =	vmul.f32 $1.999999960e-02, v0;
	_ =	sdelay $0x1  }
0xdf: {  	s16 =	simm.s32 $0x0;
	[tilespmem:$0x7FC0] =	vst v0  }
0xe0: {  	s15 =	simm.s32 $0x140;
	v0 =	vimm.f32 $0.0e+00;
	v1 =	vld [tilespmem:s16+$0x4010]  }
.LBB2_43:
0xe1: {  	p0 =	sne.s32 s15, $0x3D40  }
.Ltmp20:
0xe2: {  	_ = 	snop;
	(pc) =	sbr.rel @p0 .LBB2_43-.Ltmp20, $3  }
0xe3: {  	_ =	sdelay $0x1  }
0xe4: {  	s16 =	sshra.s32 s15, $0x2;
	s15 =	sadd.s32 $0x140, s15;
	v0 =	vadd.f32 v1, v0  }
0xe5: {  	v1 =	vld [tilespmem:s16+$0x4010]  }
0xe6: {  	_ =	sdelay $0x3  }
0xe7: {  	v0 =	vadd.f32 v1, v0;
	_ =	sdelay $0x1  }
0xe8: {  	v0 =	vmul.f32 $1.999999960e-02, v0;
	_ =	sdelay $0x1  }
0xe9: {  	s16 =	simm.s32 $0x0;
	[tilespmem:$0x7FD0] =	vst v0  }
0xea: {  	s15 =	simm.s32 $0x140;
	v0 =	vimm.f32 $0.0e+00;
	v1 =	vld [tilespmem:s16+$0x4020]  }
.LBB2_45:
0xeb: {  	p0 =	sne.s32 s15, $0x3D40  }
.Ltmp21:
0xec: {  	_ = 	snop;
	(pc) =	sbr.rel @p0 .LBB2_45-.Ltmp21, $3  }
0xed: {  	_ =	sdelay $0x1  }
0xee: {  	s16 =	sshra.s32 s15, $0x2;
	s15 =	sadd.s32 $0x140, s15;
	v0 =	vadd.f32 v1, v0  }
0xef: {  	v1 =	vld [tilespmem:s16+$0x4020]  }
0xf0: {  	_ =	sdelay $0x3  }
0xf1: {  	v0 =	vadd.f32 v1, v0;
	_ =	sdelay $0x1  }
0xf2: {  	v0 =	vmul.f32 $1.999999960e-02, v0;
	_ =	sdelay $0x1  }
0xf3: {  	s16 =	simm.s32 $0x0;
	[tilespmem:$0x7FE0] =	vst v0  }
0xf4: {  	s15 =	simm.s32 $0x140;
	v0 =	vimm.f32 $0.0e+00;
	v1 =	vld [tilespmem:s16+$0x4030]  }
.LBB2_47:
0xf5: {  	p0 =	sne.s32 s15, $0x3D40  }
.Ltmp22:
0xf6: {  	_ = 	snop;
	(pc) =	sbr.rel @p0 .LBB2_47-.Ltmp22, $3  }
0xf7: {  	_ =	sdelay $0x1  }
0xf8: {  	s16 =	sshra.s32 s15, $0x2;
	s15 =	sadd.s32 $0x140, s15;
	v0 =	vadd.f32 v1, v0  }
0xf9: {  	v1 =	vld [tilespmem:s16+$0x4030]  }
0xfa: {  	_ =	sdelay $0x3  }
0xfb: {  	v0 =	vadd.f32 v1, v0;
	_ =	sdelay $0x1  }
0xfc: {  	v0 =	vmul.f32 $1.999999960e-02, v0;
	_ =	sdelay $0x1  }
0xfd: {  	s16 =	simm.s32 $0x0;
	[tilespmem:$0x7FF0] =	vst v0  }
0xfe: {  	s15 =	simm.s32 $0x140;
	v0 =	vimm.f32 $0.0e+00;
	v1 =	vld [tilespmem:s16+$0x4040]  }
.LBB2_49:
0xff: {  	p0 =	sne.s32 s15, $0x3D40  }
.Ltmp23:
0x100: {  	_ = 	snop;
	(pc) =	sbr.rel @p0 .LBB2_49-.Ltmp23, $3  }
0x101: {  	_ =	sdelay $0x1  }
0x102: {  	s16 =	sshra.s32 s15, $0x2;
	s15 =	sadd.s32 $0x140, s15;
	v0 =	vadd.f32 v1, v0  }
0x103: {  	v1 =	vld [tilespmem:s16+$0x4040]  }
0x104: {  	_ =	sdelay $0x3  }
0x105: {  	v0 =	vadd.f32 v1, v0;
	_ =	sdelay $0x1  }
0x106: {  	v0 =	vmul.f32 $1.999999960e-02, v0;
	_ =	sdelay $0x1  }
0x107: {  	s16 =	simm.s32 $0x0;
	[tilespmem:$0x8000] =	vst v0  }
0x108: {  	s15 =	simm.s32 $0x140;
	v0 =	vimm.f32 $0.0e+00;
	v1 =	vld [tilespmem:s16+$0x4050]  }
.LBB2_51:
0x109: {  	p0 =	sne.s32 s15, $0x3D40  }
.Ltmp24:
0x10a: {  	_ = 	snop;
	(pc) =	sbr.rel @p0 .LBB2_51-.Ltmp24, $3  }
0x10b: {  	_ =	sdelay $0x1  }
0x10c: {  	s16 =	sshra.s32 s15, $0x2;
	s15 =	sadd.s32 $0x140, s15;
	v0 =	vadd.f32 v1, v0  }
0x10d: {  	v1 =	vld [tilespmem:s16+$0x4050]  }
0x10e: {  	_ =	sdelay $0x3  }
0x10f: {  	v0 =	vadd.f32 v1, v0;
	_ =	sdelay $0x1  }
0x110: {  	v0 =	vmul.f32 $1.999999960e-02, v0;
	_ =	sdelay $0x1  }
0x111: {  	s16 =	simm.s32 $0x0;
	[tilespmem:$0x8010] =	vst v0  }
0x112: {  	s15 =	simm.s32 $0x140;
	v0 =	vimm.f32 $0.0e+00;
	v1 =	vld [tilespmem:s16+$0x4FB0]  }
.LBB2_53:
0x113: {  	p0 =	sne.s32 s15, $0x3D40  }
.Ltmp25:
0x114: {  	_ = 	snop;
	(pc) =	sbr.rel @p0 .LBB2_53-.Ltmp25, $3  }
0x115: {  	_ =	sdelay $0x1  }
0x116: {  	s16 =	sshra.s32 s15, $0x2;
	s15 =	sadd.s32 $0x140, s15;
	v0 =	vadd.f32 v1, v0  }
0x117: {  	v1 =	vld [tilespmem:s16+$0x4FB0]  }
0x118: {  	_ =	sdelay $0x3  }
0x119: {  	v0 =	vadd.f32 v1, v0;
	_ =	sdelay $0x1  }
0x11a: {  	v0 =	vmul.f32 $1.999999960e-02, v0;
	_ =	sdelay $0x1  }
0x11b: {  	s16 =	simm.s32 $0x0;
	[tilespmem:$0x8020] =	vst v0  }
0x11c: {  	s15 =	simm.s32 $0x140;
	v0 =	vimm.f32 $0.0e+00;
	v1 =	vld [tilespmem:s16+$0x4FC0]  }
.LBB2_55:
0x11d: {  	p0 =	sne.s32 s15, $0x3D40  }
.Ltmp26:
0x11e: {  	_ = 	snop;
	(pc) =	sbr.rel @p0 .LBB2_55-.Ltmp26, $3  }
0x11f: {  	_ =	sdelay $0x1  }
0x120: {  	s16 =	sshra.s32 s15, $0x2;
	s15 =	sadd.s32 $0x140, s15;
	v0 =	vadd.f32 v1, v0  }
0x121: {  	v1 =	vld [tilespmem:s16+$0x4FC0]  }
0x122: {  	_ =	sdelay $0x3  }
0x123: {  	v0 =	vadd.f32 v1, v0;
	_ =	sdelay $0x1  }
0x124: {  	v0 =	vmul.f32 $1.999999960e-02, v0;
	_ =	sdelay $0x1  }
0x125: {  	s16 =	simm.s32 $0x0;
	[tilespmem:$0x8030] =	vst v0  }
0x126: {  	s15 =	simm.s32 $0x140;
	v0 =	vimm.f32 $0.0e+00;
	v1 =	vld [tilespmem:s16+$0x4FD0]  }
.LBB2_57:
0x127: {  	p0 =	sne.s32 s15, $0x3D40  }
.Ltmp27:
0x128: {  	_ = 	snop;
	(pc) =	sbr.rel @p0 .LBB2_57-.Ltmp27, $3  }
0x129: {  	_ =	sdelay $0x1  }
0x12a: {  	s16 =	sshra.s32 s15, $0x2;
	s15 =	sadd.s32 $0x140, s15;
	v0 =	vadd.f32 v1, v0  }
0x12b: {  	v1 =	vld [tilespmem:s16+$0x4FD0]  }
0x12c: {  	_ =	sdelay $0x3  }
0x12d: {  	v0 =	vadd.f32 v1, v0;
	_ =	sdelay $0x1  }
0x12e: {  	v0 =	vmul.f32 $1.999999960e-02, v0;
	_ =	sdelay $0x1  }
0x12f: {  	s16 =	simm.s32 $0x0;
	[tilespmem:$0x8040] =	vst v0  }
0x130: {  	s15 =	simm.s32 $0x140;
	v0 =	vimm.f32 $0.0e+00;
	v1 =	vld [tilespmem:s16+$0x4FE0]  }
.LBB2_59:
0x131: {  	p0 =	sne.s32 s15, $0x3D40  }
.Ltmp28:
0x132: {  	_ = 	snop;
	(pc) =	sbr.rel @p0 .LBB2_59-.Ltmp28, $3  }
0x133: {  	_ =	sdelay $0x1  }
0x134: {  	s16 =	sshra.s32 s15, $0x2;
	s15 =	sadd.s32 $0x140, s15;
	v0 =	vadd.f32 v1, v0  }
0x135: {  	v1 =	vld [tilespmem:s16+$0x4FE0]  }
0x136: {  	_ =	sdelay $0x3  }
0x137: {  	v0 =	vadd.f32 v1, v0;
	_ =	sdelay $0x1  }
0x138: {  	v0 =	vmul.f32 $1.999999960e-02, v0;
	_ =	sdelay $0x1  }
0x139: {  	s16 =	simm.s32 $0x0;
	[tilespmem:$0x8050] =	vst v0  }
0x13a: {  	s15 =	simm.s32 $0x140;
	v0 =	vimm.f32 $0.0e+00;
	v1 =	vld [tilespmem:s16+$0x4FF0]  }
.LBB2_61:
0x13b: {  	p0 =	sne.s32 s15, $0x3D40  }
.Ltmp29:
0x13c: {  	_ = 	snop;
	(pc) =	sbr.rel @p0 .LBB2_61-.Ltmp29, $3  }
0x13d: {  	_ =	sdelay $0x1  }
0x13e: {  	s16 =	sshra.s32 s15, $0x2;
	s15 =	sadd.s32 $0x140, s15;
	v0 =	vadd.f32 v1, v0  }
0x13f: {  	v1 =	vld [tilespmem:s16+$0x4FF0]  }
0x140: {  	_ =	sdelay $0x3  }
0x141: {  	v0 =	vadd.f32 v1, v0;
	_ =	sdelay $0x1  }
0x142: {  	v0 =	vmul.f32 $1.999999960e-02, v0;
	_ =	sdelay $0x1  }
0x143: {  	s16 =	simm.s32 $0x0;
	[tilespmem:$0x8060] =	vst v0  }
0x144: {  	s15 =	simm.s32 $0x140;
	v0 =	vimm.f32 $0.0e+00;
	v1 =	vld [tilespmem:s16+$0x5F50]  }
.LBB2_63:
0x145: {  	p0 =	sne.s32 s15, $0x3D40  }
.Ltmp30:
0x146: {  	_ = 	snop;
	(pc) =	sbr.rel @p0 .LBB2_63-.Ltmp30, $3  }
0x147: {  	_ =	sdelay $0x1  }
0x148: {  	s16 =	sshra.s32 s15, $0x2;
	s15 =	sadd.s32 $0x140, s15;
	v0 =	vadd.f32 v1, v0  }
0x149: {  	v1 =	vld [tilespmem:s16+$0x5F50]  }
0x14a: {  	_ =	sdelay $0x3  }
0x14b: {  	v0 =	vadd.f32 v1, v0;
	_ =	sdelay $0x1  }
0x14c: {  	v0 =	vmul.f32 $1.999999960e-02, v0;
	_ =	sdelay $0x1  }
0x14d: {  	s16 =	simm.s32 $0x0;
	[tilespmem:$0x8070] =	vst v0  }
0x14e: {  	s15 =	simm.s32 $0x140;
	v0 =	vimm.f32 $0.0e+00;
	v1 =	vld [tilespmem:s16+$0x5F60]  }
.LBB2_65:
0x14f: {  	p0 =	sne.s32 s15, $0x3D40  }
.Ltmp31:
0x150: {  	_ = 	snop;
	(pc) =	sbr.rel @p0 .LBB2_65-.Ltmp31, $3  }
0x151: {  	_ =	sdelay $0x1  }
0x152: {  	s16 =	sshra.s32 s15, $0x2;
	s15 =	sadd.s32 $0x140, s15;
	v0 =	vadd.f32 v1, v0  }
0x153: {  	v1 =	vld [tilespmem:s16+$0x5F60]  }
0x154: {  	_ =	sdelay $0x3  }
0x155: {  	v0 =	vadd.f32 v1, v0;
	_ =	sdelay $0x1  }
0x156: {  	v0 =	vmul.f32 $1.999999960e-02, v0;
	_ =	sdelay $0x1  }
0x157: {  	s16 =	simm.s32 $0x0;
	[tilespmem:$0x8080] =	vst v0  }
0x158: {  	s15 =	simm.s32 $0x140;
	v0 =	vimm.f32 $0.0e+00;
	v1 =	vld [tilespmem:s16+$0x5F70]  }
.LBB2_67:
0x159: {  	p0 =	sne.s32 s15, $0x3D40  }
.Ltmp32:
0x15a: {  	_ = 	snop;
	(pc) =	sbr.rel @p0 .LBB2_67-.Ltmp32, $3  }
0x15b: {  	_ =	sdelay $0x1  }
0x15c: {  	s16 =	sshra.s32 s15, $0x2;
	s15 =	sadd.s32 $0x140, s15;
	v0 =	vadd.f32 v1, v0  }
0x15d: {  	v1 =	vld [tilespmem:s16+$0x5F70]  }
0x15e: {  	_ =	sdelay $0x3  }
0x15f: {  	v0 =	vadd.f32 v1, v0;
	_ =	sdelay $0x1  }
0x160: {  	v0 =	vmul.f32 $1.999999960e-02, v0;
	_ =	sdelay $0x1  }
0x161: {  	s16 =	simm.s32 $0x0;
	[tilespmem:$0x8090] =	vst v0  }
0x162: {  	s15 =	simm.s32 $0x140;
	v0 =	vimm.f32 $0.0e+00;
	v1 =	vld [tilespmem:s16+$0x5F80]  }
.LBB2_69:
0x163: {  	p0 =	sne.s32 s15, $0x3D40  }
.Ltmp33:
0x164: {  	_ = 	snop;
	(pc) =	sbr.rel @p0 .LBB2_69-.Ltmp33, $3  }
0x165: {  	_ =	sdelay $0x1  }
0x166: {  	s16 =	sshra.s32 s15, $0x2;
	s15 =	sadd.s32 $0x140, s15;
	v0 =	vadd.f32 v1, v0  }
0x167: {  	v1 =	vld [tilespmem:s16+$0x5F80]  }
0x168: {  	_ =	sdelay $0x3  }
0x169: {  	v0 =	vadd.f32 v1, v0;
	_ =	sdelay $0x1  }
0x16a: {  	v0 =	vmul.f32 $1.999999960e-02, v0;
	_ =	sdelay $0x1  }
0x16b: {  	s16 =	simm.s32 $0x0;
	[tilespmem:$0x80A0] =	vst v0  }
0x16c: {  	s15 =	simm.s32 $0x140;
	v0 =	vimm.f32 $0.0e+00;
	v1 =	vld [tilespmem:s16+$0x5F90]  }
.LBB2_71:
0x16d: {  	p0 =	sne.s32 s15, $0x3D40  }
.Ltmp34:
0x16e: {  	_ = 	snop;
	(pc) =	sbr.rel @p0 .LBB2_71-.Ltmp34, $3  }
0x16f: {  	_ =	sdelay $0x1  }
0x170: {  	s16 =	sshra.s32 s15, $0x2;
	s15 =	sadd.s32 $0x140, s15;
	v0 =	vadd.f32 v1, v0  }
0x171: {  	v1 =	vld [tilespmem:s16+$0x5F90]  }
0x172: {  	_ =	sdelay $0x3  }
0x173: {  	v0 =	vadd.f32 v1, v0;
	_ =	sdelay $0x1  }
0x174: {  	v0 =	vmul.f32 $1.999999960e-02, v0;
	_ =	sdelay $0x1  }
0x175: {  	s16 =	simm.s32 $0x0;
	[tilespmem:$0x80B0] =	vst v0  }
0x176: {  	s15 =	simm.s32 $0x140;
	v0 =	vimm.f32 $0.0e+00;
	v1 =	vld [tilespmem:s16+$0x6EF0]  }
.LBB2_73:
0x177: {  	p0 =	sne.s32 s15, $0x3D40  }
.Ltmp35:
0x178: {  	_ = 	snop;
	(pc) =	sbr.rel @p0 .LBB2_73-.Ltmp35, $3  }
0x179: {  	_ =	sdelay $0x1  }
0x17a: {  	s16 =	sshra.s32 s15, $0x2;
	s15 =	sadd.s32 $0x140, s15;
	v0 =	vadd.f32 v1, v0  }
0x17b: {  	v1 =	vld [tilespmem:s16+$0x6EF0]  }
0x17c: {  	_ =	sdelay $0x3  }
0x17d: {  	v0 =	vadd.f32 v1, v0;
	_ =	sdelay $0x1  }
0x17e: {  	v0 =	vmul.f32 $1.999999960e-02, v0;
	_ =	sdelay $0x1  }
0x17f: {  	s16 =	simm.s32 $0x0;
	[tilespmem:$0x80C0] =	vst v0  }
0x180: {  	s15 =	simm.s32 $0x140;
	v0 =	vimm.f32 $0.0e+00;
	v1 =	vld [tilespmem:s16+$0x6F00]  }
.LBB2_75:
0x181: {  	p0 =	sne.s32 s15, $0x3D40  }
.Ltmp36:
0x182: {  	_ = 	snop;
	(pc) =	sbr.rel @p0 .LBB2_75-.Ltmp36, $3  }
0x183: {  	_ =	sdelay $0x1  }
0x184: {  	s16 =	sshra.s32 s15, $0x2;
	s15 =	sadd.s32 $0x140, s15;
	v0 =	vadd.f32 v1, v0  }
0x185: {  	v1 =	vld [tilespmem:s16+$0x6F00]  }
0x186: {  	_ =	sdelay $0x3  }
0x187: {  	v0 =	vadd.f32 v1, v0;
	_ =	sdelay $0x1  }
0x188: {  	v0 =	vmul.f32 $1.999999960e-02, v0;
	_ =	sdelay $0x1  }
0x189: {  	s16 =	simm.s32 $0x0;
	[tilespmem:$0x80D0] =	vst v0  }
0x18a: {  	s15 =	simm.s32 $0x140;
	v0 =	vimm.f32 $0.0e+00;
	v1 =	vld [tilespmem:s16+$0x6F10]  }
.LBB2_77:
0x18b: {  	p0 =	sne.s32 s15, $0x3D40  }
.Ltmp37:
0x18c: {  	_ = 	snop;
	(pc) =	sbr.rel @p0 .LBB2_77-.Ltmp37, $3  }
0x18d: {  	_ =	sdelay $0x1  }
0x18e: {  	s16 =	sshra.s32 s15, $0x2;
	s15 =	sadd.s32 $0x140, s15;
	v0 =	vadd.f32 v1, v0  }
0x18f: {  	v1 =	vld [tilespmem:s16+$0x6F10]  }
0x190: {  	_ =	sdelay $0x3  }
0x191: {  	v0 =	vadd.f32 v1, v0;
	_ =	sdelay $0x1  }
0x192: {  	v0 =	vmul.f32 $1.999999960e-02, v0;
	_ =	sdelay $0x1  }
0x193: {  	s16 =	simm.s32 $0x0;
	[tilespmem:$0x80E0] =	vst v0  }
0x194: {  	s15 =	simm.s32 $0x140;
	v0 =	vimm.f32 $0.0e+00;
	v1 =	vld [tilespmem:s16+$0x6F20]  }
.LBB2_79:
0x195: {  	p0 =	sne.s32 s15, $0x3D40  }
.Ltmp38:
0x196: {  	_ = 	snop;
	(pc) =	sbr.rel @p0 .LBB2_79-.Ltmp38, $3  }
0x197: {  	_ =	sdelay $0x1  }
0x198: {  	s16 =	sshra.s32 s15, $0x2;
	s15 =	sadd.s32 $0x140, s15;
	v0 =	vadd.f32 v1, v0  }
0x199: {  	v1 =	vld [tilespmem:s16+$0x6F20]  }
0x19a: {  	_ =	sdelay $0x3  }
0x19b: {  	v0 =	vadd.f32 v1, v0;
	_ =	sdelay $0x1  }
0x19c: {  	v0 =	vmul.f32 $1.999999960e-02, v0;
	_ =	sdelay $0x1  }
0x19d: {  	s16 =	simm.s32 $0x0;
	[tilespmem:$0x80F0] =	vst v0  }
0x19e: {  	s15 =	simm.s32 $0x140;
	v0 =	vimm.f32 $0.0e+00;
	v1 =	vld [tilespmem:s16+$0x6F30]  }
.LBB2_81:
0x19f: {  	p0 =	sne.s32 s15, $0x3D40  }
.Ltmp39:
0x1a0: {  	_ = 	snop;
	(pc) =	sbr.rel @p0 .LBB2_81-.Ltmp39, $3  }
0x1a1: {  	_ =	sdelay $0x1  }
0x1a2: {  	s16 =	sshra.s32 s15, $0x2;
	s15 =	sadd.s32 $0x140, s15;
	v0 =	vadd.f32 v1, v0  }
0x1a3: {  	v1 =	vld [tilespmem:s16+$0x6F30]  }
0x1a4: {  	_ =	sdelay $0x3  }
0x1a5: {  	v0 =	vadd.f32 v1, v0;
	_ =	sdelay $0x1  }
0x1a6: {  	s14 =	smul.u32 $0xA, s14;
	s13 =	sadd.s32 $0x1, s13;
	v0 =	vmul.f32 $1.999999960e-02, v0  }
0x1a7: {  	p0 =	sne.s32 s13, $0x40  }
.Ltmp40:
0x1a8: {  	s14 =	sadd.s32 s5, s14;
	[tilespmem:$0x8100] =	vst v0;
	(pc) =	sbr.rel @p0 .LBB2_2-.Ltmp40, $4  }
0x1a9: {  	[hbm4b:s14+s2] =	stream.linear.scatter [tilespmem:s11], [sflag:$0x2], $0x280, $0x38;
	[tilespmem:$0x8110] =	vst v63  }
0x1aa: {  	_ =	swait.ge [sflag:s8], $0x280  }
0x1ab: {  	[sflag:s8] =	ssyncset.done $0x0  }
0x1ac: {  	[sflag:s8] =	ssyncadd.s32 $0xFFFFFD80  }
0x1ad: {  	s12 =	sadd.s32 $0x1, s12  }
0x1ae: {  	p0 =	sne.s32 s12, s7  }
.Ltmp41:
0x1af: {  	_ = 	snop;
	(pc) =	sbr.rel @p0 .LBB2_1-.Ltmp41, $1  }
0x1b0: {  	_ =	sdelay $0x3  }
0x1b1: {  	_ =	sfence.sel $0x180000  }
0x1b2: {  	[bflag:$0x0] =	sbarrier.arrive $0xFFFF  }
0x1b3: {  	p0 =	sne.s32 s3, $0x0;
	_ =	strace $0x90000047  }
0x1b4: {  	s0 =	sadd.s32 @!p0 $0x100000, s0;
	[bflag:$0x2] =	sbarrier.arrive $0xFFFF  }
0x1b5: {  	[sflag:s0] =	ssyncadd.tile.s32 @!p0 $0x1;
	_ =	shalt  }
.Lfunc_end2:
_tile_overlayer_lowered:
.L_overlay_start_2:
0x1b6: {  	(tag) =	ssettag $0x2  }
0x1b7: {  	s0 =	rddreg [dreg:$0x0];
	s2 =	stileid.u32  }
0x1b8: {  	s1 =	rddreg [dreg:$0x1];
	p0 =	sne.s32 s2, $0x0  }
0x1b9: {  	s3 =	rddreg [dreg:$0x2];
	[bflag:$0x3] =	sbarrier.arrive $0xFFFF;
	s2 =	simm.s32 @!p0 $0x1C02  }
0x1ba: {  	[timem:s3], [sflag:s2] =	dma.local @!p0 [hbm:s0], s1  }
0x1bb: {  	s0 =	simm.s32 @!p0 $0x2  }
0x1bc: {  	_ =	swait.ge @!p0 [sflag:s0], s1  }
0x1bd: {  	s1 =	ssub.s32 @!p0 $0x0, s1;
	[sflag:s0] =	ssyncset.done @!p0 $0x0  }
0x1be: {  	[sflag:s0] =	ssyncadd.s32 @!p0 s1  }
0x1bf: {  	[bflag:$0x3] =	sbarrier.arrive $0xFFFF  }
0x1c0: {  	_ =	shalt  }

</sc_bundles>
